<compile_context>
chip_gen: v7x
topology: tpu7x:2x2x1
jax: 0.10.2.dev20260603
libtpu: 0.0.44.dev20260713+nightly
codegen_flags: <defaults>
</compile_context>

<pallas_src>
import functools

import jax
import jax.numpy as jnp
from jax import lax
from jax.experimental import pallas as pl
from jax.experimental.pallas import tpu as pltpu
from jax.experimental.pallas import tpu_sc as plsc

B_, H_, W_, P_ = 4, 320, 1024, 10000
HW = H_ * W_
MAXD = 40.0
TYPEIND = 5
NC, NS, LANES = 2, 16, 16
NW = NC * NS
SEG = NW // B_
JCH = HW // SEG
HALF = JCH // 2
HALFPAD = HALF + 16
SEGV = SEG * 2
WORDS = HW // 16
ROWS = B_ * HW // W_
RB = 64
PCH = 1264
NIT_HI, NIT_LO = 79, 72


def _maskpack_body(sem_ref, dep_ref, p2_ref, out_ref):
    m = jnp.logical_and(sem_ref[...] == TYPEIND, dep_ref[...] < MAXD)
    w = lax.dot_general(m.astype(jnp.float32), p2_ref[...],
                        (((1,), (0,)), ((), ())),
                        preferred_element_type=jnp.float32)
    out_ref[...] = w.astype(jnp.int32)


_maskpack = pl.pallas_call(
    _maskpack_body,
    grid=(ROWS // RB,),
    in_specs=[
        pl.BlockSpec((RB, 1024), lambda i: (i, 0)),
        pl.BlockSpec((RB, 1024), lambda i: (i, 0)),
        pl.BlockSpec((1024, 64), lambda i: (0, 0)),
    ],
    out_specs=pl.BlockSpec((RB, 64), lambda i: (i, 0)),
    out_shape=jax.ShapeDtypeStruct((ROWS, 64), jnp.int32),
)


_sc_mesh = plsc.VectorSubcoreMesh(
    core_axis_name="c", subcore_axis_name="s", num_cores=NC, num_subcores=NS)


@functools.partial(
    pl.kernel,
    out_type=(
        jax.ShapeDtypeStruct((NW * 2 * HALF,), jnp.int32),
        jax.ShapeDtypeStruct((NW * 2 * 16,), jnp.int32),
    ),
    mesh=_sc_mesh,
    compiler_params=pltpu.CompilerParams(needs_layout_passes=False),
    scratch_types=[
        pltpu.VMEM((JCH,), jnp.int32),
        pltpu.VMEM((WORDS,), jnp.int32),
        pltpu.VMEM((2 * HALFPAD,), jnp.int32),
        pltpu.VMEM((16,), jnp.int32),
    ],
)
def _compact(perm_hbm, tbl_hbm, lists_hbm, counts_hbm,
             perm_v, tbl_v, list_v, cnt_v):
    c = lax.axis_index("c")
    s = lax.axis_index("s")
    wid = c * NS + s
    batch = wid // SEG
    seg = wid % SEG
    pltpu.sync_copy(perm_hbm.at[pl.ds(seg * JCH, JCH)], perm_v)
    pltpu.sync_copy(tbl_hbm.at[pl.ds(batch * WORDS, WORDS)], tbl_v)

    def body(i, carry):
        cnt_a, cnt_b = carry
        for u in range(2):
            idx_a = perm_v[pl.ds(i * 32 + u * 16, 16)]
            idx_b = perm_v[pl.ds(HALF + i * 32 + u * 16, 16)]
            wv_a = plsc.load_gather(tbl_v, [lax.shift_right_logical(idx_a, 4)])
            wv_b = plsc.load_gather(tbl_v, [lax.shift_right_logical(idx_b, 4)])
            msk_a = (lax.shift_right_logical(wv_a, idx_a & 15) & 1) > 0
            msk_b = (lax.shift_right_logical(wv_b, idx_b & 15) & 1) > 0
            plsc.store_compressed(list_v.at[pl.ds(cnt_a, 16)], idx_a, mask=msk_a)
            plsc.store_compressed(list_v.at[pl.ds(HALFPAD + cnt_b, 16)], idx_b,
                                  mask=msk_b)
            cnt_a = cnt_a + plsc.all_reduce_population_count(msk_a)[0]
            cnt_b = cnt_b + plsc.all_reduce_population_count(msk_b)[0]
        return cnt_a, cnt_b

    cnt_a, cnt_b = lax.fori_loop(0, HALF // 32, body,
                                 (jnp.int32(0), jnp.int32(0)))
    cnt_v[...] = jnp.full((16,), cnt_a, jnp.int32)
    pltpu.sync_copy(cnt_v, counts_hbm.at[pl.ds(wid * 32, 16)])
    cnt_v[...] = jnp.full((16,), cnt_b, jnp.int32)
    pltpu.sync_copy(cnt_v, counts_hbm.at[pl.ds(wid * 32 + 16, 16)])
    pltpu.sync_copy(list_v.at[pl.ds(0, HALF)],
                    lists_hbm.at[pl.ds(wid * 2 * HALF, HALF)])
    pltpu.sync_copy(list_v.at[pl.ds(HALFPAD, HALF)],
                    lists_hbm.at[pl.ds((wid * 2 + 1) * HALF, HALF)])


@functools.partial(
    pl.kernel,
    out_type=jax.ShapeDtypeStruct((B_ * 3 * P_,), jnp.float32),
    mesh=_sc_mesh,
    compiler_params=pltpu.CompilerParams(needs_layout_passes=False),
    scratch_types=[
        pltpu.VMEM((NW * 2 * 16,), jnp.int32),
        pltpu.VMEM((16,), jnp.int32),
        pltpu.VMEM((P_,), jnp.float32),
        pltpu.VMEM((PCH + 16,), jnp.int32),
        pltpu.VMEM((PCH + 16,), jnp.int32),
        pltpu.VMEM((PCH + 16,), jnp.float32),
        pltpu.VMEM((64,), jnp.float32),
        pltpu.VMEM((3 * PCH,), jnp.float32),
        pltpu.SemaphoreType.DMA,
    ],
)
def _sample(counts_hbm, bind_hbm, lists_hbm, depth_hbm, k_hbm, out_hbm,
            cnts_v, offs_v, bind_v, idx_v, lval_v, dval_v, k_v, row_v, sem):
    c = lax.axis_index("c")
    s = lax.axis_index("s")
    wid = c * NS + s
    batch = wid // SEG
    pchunk = wid % SEG
    p0 = pchunk * PCH

    pltpu.sync_copy(counts_hbm, cnts_v)
    pltpu.sync_copy(bind_hbm.at[pl.ds(batch * P_, P_)], bind_v)
    pltpu.sync_copy(k_hbm, k_v)

    lanes = lax.iota(jnp.int32, 16)
    cvec = plsc.load_gather(cnts_v, [lanes * 16 + batch * (SEGV * 16)])
    csum = plsc.cumsum(cvec)
    vn = csum[15]
    offs_v[...] = csum - cvec
    per_batch = []
    for bb in range(B_):
        cb = plsc.load_gather(cnts_v, [lanes * 16 + bb * (SEGV * 16)])
        per_batch.append(cb)
    vnb = [jnp.sum(cb) for cb in per_batch]
    b0 = jnp.int32(B_ - 1)
    for bb in range(B_ - 2, -1, -1):
        b0 = jnp.where(vnb[bb] > 0, jnp.int32(bb), b0)
    c0 = plsc.load_gather(cnts_v, [lanes * 16 + b0 * (SEGV * 16)])
    cum0 = plsc.cumsum(c0)
    t0 = plsc.all_reduce_population_count(cum0 == 0)[0]
    t0 = jnp.minimum(t0, jnp.int32(SEGV - 1))
    fb_row = (b0 * SEGV + t0) * HALF
    total_valid = vnb[0] > 0
    for bb in range(1, B_):
        total_valid = jnp.logical_or(total_valid, vnb[bb] > 0)
    tv = jnp.where(total_valid, jnp.float32(1.0), jnp.float32(0.0))

    niters = jnp.where(pchunk < SEG - 1, jnp.int32(NIT_HI), jnp.int32(NIT_LO))
    nchunks = jnp.where(pchunk < SEG - 1, jnp.int32(10), jnp.int32(9))
    vn_eff = jnp.maximum(vn, 1)
    has_pts = vn > 0

    idx_v[pl.ds(NIT_LO * 16, 16)] = jnp.zeros((16,), jnp.int32)
    idx_v[pl.ds(NIT_HI * 16, 16)] = jnp.zeros((16,), jnp.int32)

    def pass1(i, _):
        bv = bind_v[pl.ds(p0 + i * 16, 16)].astype(jnp.int32)
        ii = bv % vn_eff
        tseg = jnp.zeros((16,), jnp.int32)
        for step in (8, 4, 2, 1):
            cand = tseg + step
            oc = plsc.load_gather(offs_v, [cand])
            tseg = jnp.where(ii >= oc, cand, tseg)
        obase = plsc.load_gather(offs_v, [tseg])
        rowi = (batch * SEGV + tseg) * HALF + (ii - obase)
        rowi = jnp.where(has_pts, rowi, jnp.full((16,), fb_row, jnp.int32))
        idx_v[pl.ds(i * 16, 16)] = rowi
        return _

    lax.fori_loop(0, niters, pass1, jnp.int32(0))

    def g1(k, _):
        pltpu.async_copy(lists_hbm.at[idx_v.at[pl.ds(k * 128, 128)]],
                         lval_v.at[pl.ds(k * 128, 128)], sem)
        return _

    def g1_drain(k, _):
        pltpu.make_async_copy(lists_hbm.at[pl.ds(0, 128)],
                              lval_v.at[pl.ds(k * 128, 128)], sem).wait()
        return _

    lax.fori_loop(0, nchunks, g1, jnp.int32(0))
    lax.fori_loop(0, nchunks, g1_drain, jnp.int32(0))

    borig = jnp.where(has_pts, batch, b0)

    def pass3(i, _):
        lv = lval_v[pl.ds(i * 16, 16)]
        g = jnp.clip(borig * HW + lv, 0, B_ * HW - 1)
        idx_v[pl.ds(i * 16, 16)] = g
        return _

    lax.fori_loop(0, niters, pass3, jnp.int32(0))

    def g2(k, _):
        pltpu.async_copy(depth_hbm.at[idx_v.at[pl.ds(k * 128, 128)]],
                         dval_v.at[pl.ds(k * 128, 128)], sem)
        return _

    def g2_drain(k, _):
        pltpu.make_async_copy(depth_hbm.at[pl.ds(0, 128)],
                              dval_v.at[pl.ds(k * 128, 128)], sem).wait()
        return _

    lax.fori_loop(0, nchunks, g2, jnp.int32(0))
    lax.fori_loop(0, nchunks, g2_drain, jnp.int32(0))

    def pass4(i, _):
        g = idx_v[pl.ds(i * 16, 16)]
        d = dval_v[pl.ds(i * 16, 16)]
        bv = ((g >= HW).astype(jnp.int32) + (g >= 2 * HW).astype(jnp.int32)
              + (g >= 3 * HW).astype(jnp.int32))
        r = g - bv * HW
        yv = lax.shift_right_logical(r, 10).astype(jnp.float32)
        xv = (r & 1023).astype(jnp.float32)
        xd = xv * d
        yd = yv * d
        kbase = bv * 16
        for crow in range(3):
            k0 = plsc.load_gather(k_v, [kbase + (crow * 4 + 0)])
            k1 = plsc.load_gather(k_v, [kbase + (crow * 4 + 1)])
            k2 = plsc.load_gather(k_v, [kbase + (crow * 4 + 2)])
            k3 = plsc.load_gather(k_v, [kbase + (crow * 4 + 3)])
            val = (k0 * xd + k1 * yd + k2 * d + k3) * tv
            row_v[pl.ds(crow * PCH + i * 16, 16)] = val
        return _

    lax.fori_loop(0, niters, pass4, jnp.int32(0))

    for crow in range(3):
        obase = batch * (3 * P_) + crow * P_ + p0
        pltpu.sync_copy(row_v.at[pl.ds(crow * PCH, NIT_LO * 16)],
                        out_hbm.at[pl.ds(obase, NIT_LO * 16)])

    @pl.when(pchunk < SEG - 1)
    def _tail():
        for crow in range(3):
            obase = batch * (3 * P_) + crow * P_ + p0 + NIT_LO * 16
            pltpu.sync_copy(row_v.at[pl.ds(crow * PCH + NIT_LO * 16, PCH - NIT_LO * 16)],
                            out_hbm.at[pl.ds(obase, PCH - NIT_LO * 16)])


def _pow2_matrix():
    j = jnp.arange(1024)
    col = j // 16
    bit = (j % 16).astype(jnp.int32)
    vals = jnp.left_shift(jnp.int32(1), bit).astype(jnp.float32)
    onehot = (col[:, None] == jnp.arange(64)[None, :]).astype(jnp.float32)
    return onehot * vals[:, None]


@jax.jit
def kernel(predDepth, invcamK, semanticLabel, pixelLocs, bind, lind,
           bias_helper, permute_index):
    sem2 = semanticLabel.reshape(ROWS, 1024)
    dep2 = predDepth.reshape(ROWS, 1024)
    tbl = _maskpack(sem2, dep2, _pow2_matrix()).reshape(-1)
    perm_i = permute_index.astype(jnp.int32)
    lists, counts = _compact(perm_i, tbl)
    bind_f = bind.reshape(-1)
    depth_f = predDepth.reshape(-1)
    k_f = invcamK.reshape(-1)
    out_flat = _sample(counts, bind_f, lists, depth_f, k_f)
    pts = out_flat.reshape(B_, 3, P_)
    vn = counts.reshape(NW * 2, 16)[:, 0].reshape(B_, SEGV).sum(axis=1)
    vbi = (vn > 0).astype(jnp.float32).reshape(B_, 1)
    return pts, vbi

# --- scband reference (transcript-rebuilt; emitter-appended) ---
"""Pipeline reference for scband-distill-pt-cloud-37331855737595 (READ-ONLY COPY).

The authoritative reference and input builder live on the scoring server;
editing this copy changes nothing except your own understanding.
"""

import jax, jax.numpy as jnp
import numpy as np

B, H, W, P = 4, 320, 1024, 10000
MAXD = 40.0
TYPEIND = 5

def setup_inputs(seed: int = 0):
    key = jax.random.key(seed)
    k1, k2, k3, k4, k5 = jax.random.split(key, 5)
    predDepth = jax.random.uniform(k1, (B, 1, H, W), dtype=jnp.float32)
    invcamK = jax.random.normal(k2, (B, 4, 4), dtype=jnp.float32)
    semanticLabel = jax.random.randint(k3, (B, 1, H, W), 0, 20)
    xx, yy = np.meshgrid(np.arange(W), np.arange(H), indexing='xy')
    xxb = jnp.broadcast_to(jnp.asarray(xx, jnp.float32)[None, None], (B, 1, H, W))
    yyb = jnp.broadcast_to(jnp.asarray(yy, jnp.float32)[None, None], (B, 1, H, W))
    pixelLocs = jnp.concatenate([xxb, yyb], axis=1)
    bind = jnp.broadcast_to(jnp.arange(P, dtype=jnp.float32)[None, :], (B, P))
    bind = bind[:, jax.random.permutation(k4, P)]
    ii = jnp.arange(B, dtype=jnp.float32).reshape(B, 1, 1, 1)
    lind = xxb + yyb * W + ii * (W * H)
    bias_helper = jnp.asarray(np.tril(np.ones((B, B), dtype=np.float32), -1))
    permute_index = jax.random.permutation(k5, H * W)
    return {"predDepth": predDepth, "invcamK": invcamK, "semanticLabel": semanticLabel, "pixelLocs": pixelLocs, "bind": bind, "lind": lind, "bias_helper": bias_helper, "permute_index": permute_index}

def reference(predDepth, invcamK, semanticLabel, pixelLocs, bind, lind, bias_helper, permute_index):
    # backProjTo3d: homogeneous pixel coords scaled by depth, unprojected by invcamK
    hom = jnp.concatenate([pixelLocs * predDepth, predDepth, jnp.ones_like(predDepth)], axis=1)  # [B,4,H,W]
    pts3d = jnp.matmul(invcamK, hom.reshape(B, 4, H * W)).reshape(B, 4, H, W)
    selector = (semanticLabel == TYPEIND) & (predDepth < MAXD)
    lind_lin = lind.reshape(B, 1, H * W)[:, :, permute_index]
    sel_lin = selector.reshape(B, 1, H * W)[:, :, permute_index]
    valid_number = jnp.sum(sel_lin, axis=2).astype(jnp.float32)  # [B,1]
    valid_batch_indicator = (valid_number > 0).astype(jnp.float32)
    total_valid = jnp.sum(valid_batch_indicator)
    sel_flat = sel_lin.reshape(-1)
    order = jnp.argsort(jnp.logical_not(sel_flat), stable=True)
    selected_pos = lind_lin.reshape(-1)[order]
    tmp = jnp.where(valid_number == 0, 1.0, valid_number)
    sampled_ind = jnp.remainder(bind, jnp.broadcast_to(tmp, (B, P)))
    offsets = jnp.sum(bias_helper * valid_number.reshape(1, B), axis=1, keepdims=True) * valid_batch_indicator
    sampled_ind = jnp.broadcast_to(offsets, (B, P)) + sampled_ind
    sampled_ind = sampled_ind.reshape(-1).astype(jnp.int32)
    selected_pos_idx = selected_pos[sampled_ind].astype(jnp.int32)
    flat = pts3d.transpose(0, 2, 3, 1).reshape(-1, 4)
    pts3d_sel = flat[selected_pos_idx].reshape(B, P, 4).transpose(0, 2, 1)[:, 0:3, :]
    pts3d_sel = jnp.where(total_valid > 0, pts3d_sel, jnp.zeros((B, 3, P), jnp.float32))
    return pts3d_sel, valid_batch_indicator

if __name__ == "__main__":
    import jax
    _d = setup_inputs()
    print(jax.jit(kernel)(*tuple(_d.values())))

</pallas_src>

<mosaic_0001>
#map = affine_map<(d0, d1) -> (0)>
module attributes {stable_mosaic.version = 14 : i64} {
  func.func @_sample(%arg0: i32, %arg1: i32, %arg2: memref<1024xi32, #tpu.memory_space<hbm>>, %arg3: memref<40000xf32, #tpu.memory_space<hbm>>, %arg4: memref<1310720xi32, #tpu.memory_space<hbm>>, %arg5: memref<1310720xf32, #tpu.memory_space<hbm>>, %arg6: memref<64xf32, #tpu.memory_space<hbm>>, %arg7: memref<120000xf32, #tpu.memory_space<hbm>>, %arg8: memref<1024xi32, #tpu.memory_space<vmem>>, %arg9: memref<16xi32, #tpu.memory_space<vmem>>, %arg10: memref<10000xf32, #tpu.memory_space<vmem>>, %arg11: memref<1280xi32, #tpu.memory_space<vmem>>, %arg12: memref<1280xi32, #tpu.memory_space<vmem>>, %arg13: memref<1280xf32, #tpu.memory_space<vmem>>, %arg14: memref<64xf32, #tpu.memory_space<vmem>>, %arg15: memref<3792xf32, #tpu.memory_space<vmem>>, %arg16: memref<!tpu.dma_semaphore, #tpu.memory_space<semaphore_mem>>) attributes {dimension_semantics = [#tpu.dimension_semantics<core_parallel>, #tpu.dimension_semantics<subcore_parallel>], iteration_bounds = array<i64: 2, 16>, scalar_prefetch = 0 : i64, scratch_operands = 9 : i64, tpu.core_type = #tpu.core_type<sc_vector_subcore>, window_params = [{transform_indices = #map}, {transform_indices = #map}, {transform_indices = #map}, {transform_indices = #map}, {transform_indices = #map}, {transform_indices = #map}]} {
    %mul3A = arith.constant 16 : i32
    %mul3A_0 = arith.muli %arg0, %mul3A : i32
    %add3A = arith.addi %mul3A_0, %arg1 : i32
    %jit3A = arith.constant 8 : i32
    %div3A = arith.divsi %add3A, %jit3A : i32
    %sign3A = arith.constant 0 : i32
    %sign3A_1 = arith.cmpi sgt, %add3A, %sign3A : i32
    %sign3A_2 = arith.extui %sign3A_1 : i1 to i32
    %sign3A_3 = arith.constant 0 : i32
    %sign3A_4 = arith.cmpi slt, %add3A, %sign3A_3 : i32
    %sign3A_5 = arith.extui %sign3A_4 : i1 to i32
    %sign3A_6 = arith.subi %sign3A_2, %sign3A_5 : i32
    %sign3A_7 = arith.constant 0 : i32
    %sign3A_8 = arith.cmpi sgt, %jit3A, %sign3A_7 : i32
    %sign3A_9 = arith.extui %sign3A_8 : i1 to i32
    %sign3A_10 = arith.constant 0 : i32
    %sign3A_11 = arith.cmpi slt, %jit3A, %sign3A_10 : i32
    %sign3A_12 = arith.extui %sign3A_11 : i1 to i32
    %sign3A_13 = arith.subi %sign3A_9, %sign3A_12 : i32
    %ne3A = arith.cmpi ne, %sign3A_6, %sign3A_13 : i32
    %rem3A = arith.remsi %add3A, %jit3A : i32
    %ne3A_14 = arith.constant 0 : i32
    %ne3A_15 = arith.cmpi ne, %rem3A, %ne3A_14 : i32
    %and3A = arith.andi %ne3A, %ne3A_15 : i1
    %sub3A = arith.constant 1 : i32
    %sub3A_16 = arith.subi %div3A, %sub3A : i32
    %select_n3A = arith.select %and3A, %sub3A_16, %div3A : i32
    %jit3A_17 = arith.constant 8 : i32
    %eq3A = arith.constant 0 : i32
    %eq3A_18 = arith.cmpi eq, %jit3A_17, %eq3A : i32
    %jit3A_19 = arith.constant 1 : i32
    %select_n3A_20 = arith.select %eq3A_18, %jit3A_19, %jit3A_17 : i32
    %rem3A_21 = arith.remsi %add3A, %select_n3A_20 : i32
    %ne3A_22 = arith.constant 0 : i32
    %ne3A_23 = arith.cmpi ne, %rem3A_21, %ne3A_22 : i32
    %lt3A = arith.constant 0 : i32
    %lt3A_24 = arith.cmpi slt, %rem3A_21, %lt3A : i32
    %lt3A_25 = arith.constant 0 : i32
    %lt3A_26 = arith.cmpi slt, %select_n3A_20, %lt3A_25 : i32
    %ne3A_27 = arith.xori %lt3A_24, %lt3A_26 : i1
    %and3A_28 = arith.andi %ne3A_27, %ne3A_23 : i1
    %add3A_29 = arith.addi %rem3A_21, %select_n3A_20 : i32
    %select_n3A_30 = arith.select %and3A_28, %add3A_29, %rem3A_21 : i32
    %mul3A_31 = arith.constant 1264 : i32
    %mul3A_32 = arith.muli %select_n3A_30, %mul3A_31 : i32
    "tpu.region"() ({
      %run_scoped3A = tpu.sem_alloc : memref<!tpu.dma_semaphore, #tpu.memory_space<semaphore_mem>>
      tpu.enqueue_dma source(%arg2 : memref<1024xi32, #tpu.memory_space<hbm>>) target(%arg8 : memref<1024xi32, #tpu.memory_space<vmem>>) target_semaphore(%run_scoped3A : memref<!tpu.dma_semaphore, #tpu.memory_space<semaphore_mem>>)
      tpu.wait_dma2 semaphore(%run_scoped3A : memref<!tpu.dma_semaphore, #tpu.memory_space<semaphore_mem>>) src(%arg2 : memref<1024xi32, #tpu.memory_space<hbm>>) dst(%arg8 : memref<1024xi32, #tpu.memory_space<vmem>>)
      tpu.yield
    }) : () -> ()
    %mul3A_33 = arith.constant 10000 : i32
    %mul3A_34 = arith.muli %select_n3A, %mul3A_33 : i32
    "tpu.region"() ({
      %run_scoped3A = tpu.sem_alloc : memref<!tpu.dma_semaphore, #tpu.memory_space<semaphore_mem>>
      %dma_start3A = tpu.memref_slice %arg3[%mul3A_34] : memref<40000xf32, #tpu.memory_space<hbm>> -> memref<10000xf32, #tpu.memory_space<hbm>>
      %dma_start3A_244 = tpu.memref_slice %arg3[%mul3A_34] : memref<40000xf32, #tpu.memory_space<hbm>> -> memref<10000xf32, #tpu.memory_space<hbm>>
      tpu.enqueue_dma source(%dma_start3A_244 : memref<10000xf32, #tpu.memory_space<hbm>>) target(%arg10 : memref<10000xf32, #tpu.memory_space<vmem>>) target_semaphore(%run_scoped3A : memref<!tpu.dma_semaphore, #tpu.memory_space<semaphore_mem>>)
      %dma_wait3A = tpu.memref_slice %arg3[%mul3A_34] : memref<40000xf32, #tpu.memory_space<hbm>> -> memref<10000xf32, #tpu.memory_space<hbm>>
      %dma_wait3A_245 = tpu.memref_slice %arg3[%mul3A_34] : memref<40000xf32, #tpu.memory_space<hbm>> -> memref<10000xf32, #tpu.memory_space<hbm>>
      tpu.wait_dma2 semaphore(%run_scoped3A : memref<!tpu.dma_semaphore, #tpu.memory_space<semaphore_mem>>) src(%dma_wait3A_245 : memref<10000xf32, #tpu.memory_space<hbm>>) dst(%arg10 : memref<10000xf32, #tpu.memory_space<vmem>>)
      tpu.yield
    }) : () -> ()
    "tpu.region"() ({
      %run_scoped3A = tpu.sem_alloc : memref<!tpu.dma_semaphore, #tpu.memory_space<semaphore_mem>>
      tpu.enqueue_dma source(%arg6 : memref<64xf32, #tpu.memory_space<hbm>>) target(%arg14 : memref<64xf32, #tpu.memory_space<vmem>>) target_semaphore(%run_scoped3A : memref<!tpu.dma_semaphore, #tpu.memory_space<semaphore_mem>>)
      tpu.wait_dma2 semaphore(%run_scoped3A : memref<!tpu.dma_semaphore, #tpu.memory_space<semaphore_mem>>) src(%arg6 : memref<64xf32, #tpu.memory_space<hbm>>) dst(%arg14 : memref<64xf32, #tpu.memory_space<vmem>>)
      tpu.yield
    }) : () -> ()
    %iota3A = tpu.iota {dimensions = array<i32: 0>} : vector<16xi32>
    %mul3A_35 = arith.constant 16 : i32
    %mul3A_36 = vector.broadcast %mul3A_35 : i32 to vector<16xi32>
    %mul3A_37 = arith.muli %iota3A, %mul3A_36 : vector<16xi32>
    %mul3A_38 = arith.constant 256 : i32
    %mul3A_39 = arith.muli %select_n3A, %mul3A_38 : i32
    %add3A_40 = vector.broadcast %mul3A_39 : i32 to vector<16xi32>
    %add3A_41 = arith.addi %mul3A_37, %add3A_40 : vector<16xi32>
    %gather3A = tpu.vector_load_idx %arg8[%add3A_41] : memref<1024xi32, #tpu.memory_space<vmem>>[vector<16xi32>], vector<16xi32>,
    %broadcast_in_dim3A = arith.constant true
    %broadcast_in_dim3A_42 = vector.broadcast %broadcast_in_dim3A : i1 to vector<16xi1>
    %masked_cumsum3A = tpu.scan <sum>, %gather3A masked %broadcast_in_dim3A_42 : vector<16xi32>, vector<16xi1> -> vector<16xi32>
    %slice3A = vector.extract_strided_slice %masked_cumsum3A {offsets = [15], sizes = [1], strides = [1]} : vector<16xi32> to vector<1xi32>
    %squeeze3A = vector.extract %slice3A[0] : i32 from vector<1xi32>
    %sub3A_43 = arith.subi %masked_cumsum3A, %gather3A : vector<16xi32>
    %swap3A = arith.constant 0 : index
    %swap3A_44 = tpu.vector_load %arg9[%swap3A] {strides = array<i32>} : memref<16xi32, #tpu.memory_space<vmem>>, vector<16xi32>,
    tpu.vector_store %arg9[%swap3A], %sub3A_43 {strides = array<i32>} : memref<16xi32, #tpu.memory_space<vmem>>, vector<16xi32>,
    %mul3A_45 = arith.constant 16 : i32
    %mul3A_46 = vector.broadcast %mul3A_45 : i32 to vector<16xi32>
    %mul3A_47 = arith.muli %iota3A, %mul3A_46 : vector<16xi32>
    %add3A_48 = arith.constant 0 : i32
    %add3A_49 = vector.broadcast %add3A_48 : i32 to vector<16xi32>
    %add3A_50 = arith.addi %mul3A_47, %add3A_49 : vector<16xi32>
    %gather3A_51 = tpu.vector_load_idx %arg8[%add3A_50] : memref<1024xi32, #tpu.memory_space<vmem>>[vector<16xi32>], vector<16xi32>,
    %mul3A_52 = arith.constant 16 : i32
    %mul3A_53 = vector.broadcast %mul3A_52 : i32 to vector<16xi32>
    %mul3A_54 = arith.muli %iota3A, %mul3A_53 : vector<16xi32>
    %add3A_55 = arith.constant 256 : i32
    %add3A_56 = vector.broadcast %add3A_55 : i32 to vector<16xi32>
    %add3A_57 = arith.addi %mul3A_54, %add3A_56 : vector<16xi32>
    %gather3A_58 = tpu.vector_load_idx %arg8[%add3A_57] : memref<1024xi32, #tpu.memory_space<vmem>>[vector<16xi32>], vector<16xi32>,
    %mul3A_59 = arith.constant 16 : i32
    %mul3A_60 = vector.broadcast %mul3A_59 : i32 to vector<16xi32>
    %mul3A_61 = arith.muli %iota3A, %mul3A_60 : vector<16xi32>
    %add3A_62 = arith.constant 512 : i32
    %add3A_63 = vector.broadcast %add3A_62 : i32 to vector<16xi32>
    %add3A_64 = arith.addi %mul3A_61, %add3A_63 : vector<16xi32>
    %gather3A_65 = tpu.vector_load_idx %arg8[%add3A_64] : memref<1024xi32, #tpu.memory_space<vmem>>[vector<16xi32>], vector<16xi32>,
    %mul3A_66 = arith.constant 16 : i32
    %mul3A_67 = vector.broadcast %mul3A_66 : i32 to vector<16xi32>
    %mul3A_68 = arith.muli %iota3A, %mul3A_67 : vector<16xi32>
    %add3A_69 = arith.constant 768 : i32
    %add3A_70 = vector.broadcast %add3A_69 : i32 to vector<16xi32>
    %add3A_71 = arith.addi %mul3A_68, %add3A_70 : vector<16xi32>
    %gather3A_72 = tpu.vector_load_idx %arg8[%add3A_71] : memref<1024xi32, #tpu.memory_space<vmem>>[vector<16xi32>], vector<16xi32>,
    %reduce_sum3A = arith.constant true
    %reduce_sum3A_73 = vector.broadcast %reduce_sum3A : i1 to vector<16xi1>
    %reduce_sum3A_74 = tpu.scan <sum>, %gather3A_51 masked %reduce_sum3A_73 : vector<16xi32>, vector<16xi1> -> vector<16xi32>
    %reduce_sum3A_75 = vector.extract %reduce_sum3A_74[15] : i32 from vector<16xi32>
    %reduce_sum3A_76 = arith.constant true
    %reduce_sum3A_77 = vector.broadcast %reduce_sum3A_76 : i1 to vector<16xi1>
    %reduce_sum3A_78 = tpu.scan <sum>, %gather3A_58 masked %reduce_sum3A_77 : vector<16xi32>, vector<16xi1> -> vector<16xi32>
    %reduce_sum3A_79 = vector.extract %reduce_sum3A_78[15] : i32 from vector<16xi32>
    %reduce_sum3A_80 = arith.constant true
    %reduce_sum3A_81 = vector.broadcast %reduce_sum3A_80 : i1 to vector<16xi1>
    %reduce_sum3A_82 = tpu.scan <sum>, %gather3A_65 masked %reduce_sum3A_81 : vector<16xi32>, vector<16xi1> -> vector<16xi32>
    %reduce_sum3A_83 = vector.extract %reduce_sum3A_82[15] : i32 from vector<16xi32>
    %reduce_sum3A_84 = arith.constant true
    %reduce_sum3A_85 = vector.broadcast %reduce_sum3A_84 : i1 to vector<16xi1>
    %reduce_sum3A_86 = tpu.scan <sum>, %gather3A_72 masked %reduce_sum3A_85 : vector<16xi32>, vector<16xi1> -> vector<16xi32>
    %reduce_sum3A_87 = vector.extract %reduce_sum3A_86[15] : i32 from vector<16xi32>
    %gt3A = arith.constant 0 : i32
    %gt3A_88 = arith.cmpi sgt, %reduce_sum3A_83, %gt3A : i32
    %jit3A_89 = arith.constant 2 : i32
    %jit3A_90 = arith.constant 3 : i32
    %select_n3A_91 = arith.select %gt3A_88, %jit3A_89, %jit3A_90 : i32
    %gt3A_92 = arith.constant 0 : i32
    %gt3A_93 = arith.cmpi sgt, %reduce_sum3A_79, %gt3A_92 : i32
    %jit3A_94 = arith.constant 1 : i32
    %select_n3A_95 = arith.select %gt3A_93, %jit3A_94, %select_n3A_91 : i32
    %gt3A_96 = arith.constant 0 : i32
    %gt3A_97 = arith.cmpi sgt, %reduce_sum3A_75, %gt3A_96 : i32
    %jit3A_98 = arith.constant 0 : i32
    %select_n3A_99 = arith.select %gt3A_97, %jit3A_98, %select_n3A_95 : i32
    %mul3A_100 = arith.constant 16 : i32
    %mul3A_101 = vector.broadcast %mul3A_100 : i32 to vector<16xi32>
    %mul3A_102 = arith.muli %iota3A, %mul3A_101 : vector<16xi32>
    %mul3A_103 = arith.constant 256 : i32
    %mul3A_104 = arith.muli %select_n3A_99, %mul3A_103 : i32
    %add3A_105 = vector.broadcast %mul3A_104 : i32 to vector<16xi32>
    %add3A_106 = arith.addi %mul3A_102, %add3A_105 : vector<16xi32>
    %gather3A_107 = tpu.vector_load_idx %arg8[%add3A_106] : memref<1024xi32, #tpu.memory_space<vmem>>[vector<16xi32>], vector<16xi32>,
    %broadcast_in_dim3A_108 = arith.constant true
    %broadcast_in_dim3A_109 = vector.broadcast %broadcast_in_dim3A_108 : i1 to vector<16xi1>
    %masked_cumsum3A_110 = tpu.scan <sum>, %gather3A_107 masked %broadcast_in_dim3A_109 : vector<16xi32>, vector<16xi1> -> vector<16xi32>
    %eq3A_111 = arith.constant 0 : i32
    %eq3A_112 = vector.broadcast %eq3A_111 : i32 to vector<16xi32>
    %eq3A_113 = arith.cmpi eq, %masked_cumsum3A_110, %eq3A_112 : vector<16xi32>
    %all_reduce_population_count3A = tpu.all_reduce %eq3A_113 {dim = 0 : i64, kind = #tpu.reduction_kind<sum>} : vector<16xi1> -> vector<16xi32>
    %slice3A_114 = vector.extract_strided_slice %all_reduce_population_count3A {offsets = [0], sizes = [1], strides = [1]} : vector<16xi32> to vector<1xi32>
    %squeeze3A_115 = vector.extract %slice3A_114[0] : i32 from vector<1xi32>
    %min3A = arith.constant 15 : i32
    %min3A_116 = arith.minsi %squeeze3A_115, %min3A : i32
    %mul3A_117 = arith.constant 16 : i32
    %mul3A_118 = arith.muli %select_n3A_99, %mul3A_117 : i32
    %add3A_119 = arith.addi %mul3A_118, %min3A_116 : i32
    %mul3A_120 = arith.constant 20480 : i32
    %mul3A_121 = arith.muli %add3A_119, %mul3A_120 : i32
    %gt3A_122 = arith.constant 0 : i32
    %gt3A_123 = arith.cmpi sgt, %reduce_sum3A_75, %gt3A_122 : i32
    %gt3A_124 = arith.constant 0 : i32
    %gt3A_125 = arith.cmpi sgt, %reduce_sum3A_79, %gt3A_124 : i32
    %or3A = arith.ori %gt3A_123, %gt3A_125 : i1
    %gt3A_126 = arith.constant 0 : i32
    %gt3A_127 = arith.cmpi sgt, %reduce_sum3A_83, %gt3A_126 : i32
    %or3A_128 = arith.ori %or3A, %gt3A_127 : i1
    %gt3A_129 = arith.constant 0 : i32
    %gt3A_130 = arith.cmpi sgt, %reduce_sum3A_87, %gt3A_129 : i32
    %or3A_131 = arith.ori %or3A_128, %gt3A_130 : i1
    %jit3A_132 = arith.constant 1.000000e+00 : f32
    %jit3A_133 = arith.constant 0.000000e+00 : f32
    %select_n3A_134 = arith.select %or3A_131, %jit3A_132, %jit3A_133 : f32
    %lt3A_135 = arith.constant 7 : i32
    %lt3A_136 = arith.cmpi slt, %select_n3A_30, %lt3A_135 : i32
    %jit3A_137 = arith.constant 79 : i32
    %jit3A_138 = arith.constant 72 : i32
    %select_n3A_139 = arith.select %lt3A_136, %jit3A_137, %jit3A_138 : i32
    %lt3A_140 = arith.constant 7 : i32
    %lt3A_141 = arith.cmpi slt, %select_n3A_30, %lt3A_140 : i32
    %jit3A_142 = arith.constant 10 : i32
    %jit3A_143 = arith.constant 9 : i32
    %select_n3A_144 = arith.select %lt3A_141, %jit3A_142, %jit3A_143 : i32
    %max3A = arith.constant 1 : i32
    %max3A_145 = arith.maxsi %squeeze3A, %max3A : i32
    %gt3A_146 = arith.constant 0 : i32
    %gt3A_147 = arith.cmpi sgt, %squeeze3A, %gt3A_146 : i32
    %broadcast_in_dim3A_148 = arith.constant 0 : i32
    %broadcast_in_dim3A_149 = vector.broadcast %broadcast_in_dim3A_148 : i32 to vector<16xi32>
    %swap3A_150 = arith.constant 1152 : index
    %swap3A_151 = tpu.vector_load %arg11[%swap3A_150] {strides = array<i32>} : memref<1280xi32, #tpu.memory_space<vmem>>, vector<16xi32>,
    tpu.vector_store %arg11[%swap3A_150], %broadcast_in_dim3A_149 {strides = array<i32>} : memref<1280xi32, #tpu.memory_space<vmem>>, vector<16xi32>,
    %broadcast_in_dim3A_152 = arith.constant 0 : i32
    %broadcast_in_dim3A_153 = vector.broadcast %broadcast_in_dim3A_152 : i32 to vector<16xi32>
    %swap3A_154 = arith.constant 1264 : index
    %swap3A_155 = tpu.vector_load %arg11[%swap3A_154] {strides = array<i32>} : memref<1280xi32, #tpu.memory_space<vmem>>, vector<16xi32>,
    tpu.vector_store %arg11[%swap3A_154], %broadcast_in_dim3A_153 {strides = array<i32>} : memref<1280xi32, #tpu.memory_space<vmem>>, vector<16xi32>,
    %while3A = arith.constant 0 : i32
    %while3A_156 = arith.constant 0 : i32
    %while3A_157 = arith.subi %select_n3A_139, %while3A_156 : i32
    %while3A_158 = arith.addi %while3A_156, %while3A_157 : i32
    %while3A_159 = arith.constant 1 : i32
    %while3A_160 = arith.divsi %while3A_157, %while3A_159 : i32
    %while3A_161 = arith.muli %while3A_160, %while3A_159 : i32
    %while3A_162 = arith.addi %while3A_156, %while3A_161 : i32
    %while3A_163 = arith.constant 1 : i32
    scf.for %while3A_244 = %while3A_156 to %while3A_162 step %while3A_163  : i32 {
      %mul3A_245 = arith.constant 16 : i32
      %mul3A_246 = arith.muli %while3A_244, %mul3A_245 : i32
      %add3A_247 = arith.addi %mul3A_32, %mul3A_246 : i32
      %get3A = arith.index_cast %add3A_247 : i32 to index
      %get3A_248 = tpu.vector_load %arg10[%get3A] {strides = array<i32>} : memref<10000xf32, #tpu.memory_space<vmem>>, vector<16xf32>,
      %convert_element_type3A_249 = arith.fptosi %get3A_248 : vector<16xf32> to vector<16xi32>
      %eq3A_250 = arith.constant 0 : i32
      %eq3A_251 = arith.cmpi eq, %max3A_145, %eq3A_250 : i32
      %jit3A_252 = arith.constant 1 : i32
      %select_n3A_253 = arith.select %eq3A_251, %jit3A_252, %max3A_145 : i32
      %rem3A_254 = vector.broadcast %select_n3A_253 : i32 to vector<16xi32>
      %rem3A_255 = arith.remsi %convert_element_type3A_249, %rem3A_254 : vector<16xi32>
      %ne3A_256 = arith.constant 0 : i32
      %ne3A_257 = vector.broadcast %ne3A_256 : i32 to vector<16xi32>
      %ne3A_258 = arith.cmpi ne, %rem3A_255, %ne3A_257 : vector<16xi32>
      %lt3A_259 = arith.constant 0 : i32
      %lt3A_260 = vector.broadcast %lt3A_259 : i32 to vector<16xi32>
      %lt3A_261 = arith.cmpi slt, %rem3A_255, %lt3A_260 : vector<16xi32>
      %lt3A_262 = arith.constant 0 : i32
      %lt3A_263 = arith.cmpi slt, %select_n3A_253, %lt3A_262 : i32
      %ne3A_264 = vector.broadcast %lt3A_263 : i1 to vector<16xi1>
      %ne3A_265 = vector.broadcast %ne3A_264 : vector<16xi1> to vector<16xi1>
      %ne3A_266 = arith.xori %lt3A_261, %ne3A_265 : vector<16xi1>
      %and3A_267 = arith.andi %ne3A_266, %ne3A_258 : vector<16xi1>
      %add3A_268 = vector.broadcast %select_n3A_253 : i32 to vector<16xi32>
      %add3A_269 = arith.addi %rem3A_255, %add3A_268 : vector<16xi32>
      %select_n3A_270 = arith.select %and3A_267, %add3A_269, %rem3A_255 : vector<16xi1>, vector<16xi32>
      %broadcast_in_dim3A_271 = arith.constant 0 : i32
      %broadcast_in_dim3A_272 = vector.broadcast %broadcast_in_dim3A_271 : i32 to vector<16xi32>
      %add3A_273 = arith.constant 8 : i32
      %add3A_274 = vector.broadcast %add3A_273 : i32 to vector<16xi32>
      %add3A_275 = arith.addi %broadcast_in_dim3A_272, %add3A_274 : vector<16xi32>
      %gather3A_276 = tpu.vector_load_idx %arg9[%add3A_275] : memref<16xi32, #tpu.memory_space<vmem>>[vector<16xi32>], vector<16xi32>,
      %ge3A = arith.cmpi sge, %select_n3A_270, %gather3A_276 : vector<16xi32>
      %select_n3A_277 = arith.select %ge3A, %add3A_275, %broadcast_in_dim3A_272 : vector<16xi1>, vector<16xi32>
      %add3A_278 = arith.constant 4 : i32
      %add3A_279 = vector.broadcast %add3A_278 : i32 to vector<16xi32>
      %add3A_280 = arith.addi %select_n3A_277, %add3A_279 : vector<16xi32>
      %gather3A_281 = tpu.vector_load_idx %arg9[%add3A_280] : memref<16xi32, #tpu.memory_space<vmem>>[vector<16xi32>], vector<16xi32>,
      %ge3A_282 = arith.cmpi sge, %select_n3A_270, %gather3A_281 : vector<16xi32>
      %select_n3A_283 = arith.select %ge3A_282, %add3A_280, %select_n3A_277 : vector<16xi1>, vector<16xi32>
      %add3A_284 = arith.constant 2 : i32
      %add3A_285 = vector.broadcast %add3A_284 : i32 to vector<16xi32>
      %add3A_286 = arith.addi %select_n3A_283, %add3A_285 : vector<16xi32>
      %gather3A_287 = tpu.vector_load_idx %arg9[%add3A_286] : memref<16xi32, #tpu.memory_space<vmem>>[vector<16xi32>], vector<16xi32>,
      %ge3A_288 = arith.cmpi sge, %select_n3A_270, %gather3A_287 : vector<16xi32>
      %select_n3A_289 = arith.select %ge3A_288, %add3A_286, %select_n3A_283 : vector<16xi1>, vector<16xi32>
      %add3A_290 = arith.constant 1 : i32
      %add3A_291 = vector.broadcast %add3A_290 : i32 to vector<16xi32>
      %add3A_292 = arith.addi %select_n3A_289, %add3A_291 : vector<16xi32>
      %gather3A_293 = tpu.vector_load_idx %arg9[%add3A_292] : memref<16xi32, #tpu.memory_space<vmem>>[vector<16xi32>], vector<16xi32>,
      %ge3A_294 = arith.cmpi sge, %select_n3A_270, %gather3A_293 : vector<16xi32>
      %select_n3A_295 = arith.select %ge3A_294, %add3A_292, %select_n3A_289 : vector<16xi1>, vector<16xi32>
      %gather3A_296 = tpu.vector_load_idx %arg9[%select_n3A_295] : memref<16xi32, #tpu.memory_space<vmem>>[vector<16xi32>], vector<16xi32>,
      %mul3A_297 = arith.constant 16 : i32
      %mul3A_298 = arith.muli %select_n3A, %mul3A_297 : i32
      %add3A_299 = vector.broadcast %mul3A_298 : i32 to vector<16xi32>
      %add3A_300 = arith.addi %add3A_299, %select_n3A_295 : vector<16xi32>
      %mul3A_301 = arith.constant 20480 : i32
      %mul3A_302 = vector.broadcast %mul3A_301 : i32 to vector<16xi32>
      %mul3A_303 = arith.muli %add3A_300, %mul3A_302 : vector<16xi32>
      %sub3A_304 = arith.subi %select_n3A_270, %gather3A_296 : vector<16xi32>
      %add3A_305 = arith.addi %mul3A_303, %sub3A_304 : vector<16xi32>
      %broadcast_in_dim3A_306 = vector.broadcast %mul3A_121 : i32 to vector<16xi32>
      %select_n3A_307 = arith.select %gt3A_147, %add3A_305, %broadcast_in_dim3A_306 : vector<16xi32>
      %mul3A_308 = arith.constant 16 : i32
      %mul3A_309 = arith.muli %while3A_244, %mul3A_308 : i32
      %swap3A_310 = arith.index_cast %mul3A_309 : i32 to index
      %swap3A_311 = tpu.vector_load %arg11[%swap3A_310] {strides = array<i32>} : memref<1280xi32, #tpu.memory_space<vmem>>, vector<16xi32>,
      tpu.vector_store %arg11[%swap3A_310], %select_n3A_307 {strides = array<i32>} : memref<1280xi32, #tpu.memory_space<vmem>>, vector<16xi32>,
    }
    %while3A_164 = arith.constant 1 : i32
    scf.for %while3A_244 = %while3A_162 to %while3A_158 step %while3A_164  : i32 {
      %mul3A_245 = arith.constant 16 : i32
      %mul3A_246 = arith.muli %while3A_244, %mul3A_245 : i32
      %add3A_247 = arith.addi %mul3A_32, %mul3A_246 : i32
      %get3A = arith.index_cast %add3A_247 : i32 to index
      %get3A_248 = tpu.vector_load %arg10[%get3A] {strides = array<i32>} : memref<10000xf32, #tpu.memory_space<vmem>>, vector<16xf32>,
      %convert_element_type3A_249 = arith.fptosi %get3A_248 : vector<16xf32> to vector<16xi32>
      %eq3A_250 = arith.constant 0 : i32
      %eq3A_251 = arith.cmpi eq, %max3A_145, %eq3A_250 : i32
      %jit3A_252 = arith.constant 1 : i32
      %select_n3A_253 = arith.select %eq3A_251, %jit3A_252, %max3A_145 : i32
      %rem3A_254 = vector.broadcast %select_n3A_253 : i32 to vector<16xi32>
      %rem3A_255 = arith.remsi %convert_element_type3A_249, %rem3A_254 : vector<16xi32>
      %ne3A_256 = arith.constant 0 : i32
      %ne3A_257 = vector.broadcast %ne3A_256 : i32 to vector<16xi32>
      %ne3A_258 = arith.cmpi ne, %rem3A_255, %ne3A_257 : vector<16xi32>
      %lt3A_259 = arith.constant 0 : i32
      %lt3A_260 = vector.broadcast %lt3A_259 : i32 to vector<16xi32>
      %lt3A_261 = arith.cmpi slt, %rem3A_255, %lt3A_260 : vector<16xi32>
      %lt3A_262 = arith.constant 0 : i32
      %lt3A_263 = arith.cmpi slt, %select_n3A_253, %lt3A_262 : i32
      %ne3A_264 = vector.broadcast %lt3A_263 : i1 to vector<16xi1>
      %ne3A_265 = vector.broadcast %ne3A_264 : vector<16xi1> to vector<16xi1>
      %ne3A_266 = arith.xori %lt3A_261, %ne3A_265 : vector<16xi1>
      %and3A_267 = arith.andi %ne3A_266, %ne3A_258 : vector<16xi1>
      %add3A_268 = vector.broadcast %select_n3A_253 : i32 to vector<16xi32>
      %add3A_269 = arith.addi %rem3A_255, %add3A_268 : vector<16xi32>
      %select_n3A_270 = arith.select %and3A_267, %add3A_269, %rem3A_255 : vector<16xi1>, vector<16xi32>
      %broadcast_in_dim3A_271 = arith.constant 0 : i32
      %broadcast_in_dim3A_272 = vector.broadcast %broadcast_in_dim3A_271 : i32 to vector<16xi32>
      %add3A_273 = arith.constant 8 : i32
      %add3A_274 = vector.broadcast %add3A_273 : i32 to vector<16xi32>
      %add3A_275 = arith.addi %broadcast_in_dim3A_272, %add3A_274 : vector<16xi32>
      %gather3A_276 = tpu.vector_load_idx %arg9[%add3A_275] : memref<16xi32, #tpu.memory_space<vmem>>[vector<16xi32>], vector<16xi32>,
      %ge3A = arith.cmpi sge, %select_n3A_270, %gather3A_276 : vector<16xi32>
      %select_n3A_277 = arith.select %ge3A, %add3A_275, %broadcast_in_dim3A_272 : vector<16xi1>, vector<16xi32>
      %add3A_278 = arith.constant 4 : i32
      %add3A_279 = vector.broadcast %add3A_278 : i32 to vector<16xi32>
      %add3A_280 = arith.addi %select_n3A_277, %add3A_279 : vector<16xi32>
      %gather3A_281 = tpu.vector_load_idx %arg9[%add3A_280] : memref<16xi32, #tpu.memory_space<vmem>>[vector<16xi32>], vector<16xi32>,
      %ge3A_282 = arith.cmpi sge, %select_n3A_270, %gather3A_281 : vector<16xi32>
      %select_n3A_283 = arith.select %ge3A_282, %add3A_280, %select_n3A_277 : vector<16xi1>, vector<16xi32>
      %add3A_284 = arith.constant 2 : i32
      %add3A_285 = vector.broadcast %add3A_284 : i32 to vector<16xi32>
      %add3A_286 = arith.addi %select_n3A_283, %add3A_285 : vector<16xi32>
      %gather3A_287 = tpu.vector_load_idx %arg9[%add3A_286] : memref<16xi32, #tpu.memory_space<vmem>>[vector<16xi32>], vector<16xi32>,
      %ge3A_288 = arith.cmpi sge, %select_n3A_270, %gather3A_287 : vector<16xi32>
      %select_n3A_289 = arith.select %ge3A_288, %add3A_286, %select_n3A_283 : vector<16xi1>, vector<16xi32>
      %add3A_290 = arith.constant 1 : i32
      %add3A_291 = vector.broadcast %add3A_290 : i32 to vector<16xi32>
      %add3A_292 = arith.addi %select_n3A_289, %add3A_291 : vector<16xi32>
      %gather3A_293 = tpu.vector_load_idx %arg9[%add3A_292] : memref<16xi32, #tpu.memory_space<vmem>>[vector<16xi32>], vector<16xi32>,
      %ge3A_294 = arith.cmpi sge, %select_n3A_270, %gather3A_293 : vector<16xi32>
      %select_n3A_295 = arith.select %ge3A_294, %add3A_292, %select_n3A_289 : vector<16xi1>, vector<16xi32>
      %gather3A_296 = tpu.vector_load_idx %arg9[%select_n3A_295] : memref<16xi32, #tpu.memory_space<vmem>>[vector<16xi32>], vector<16xi32>,
      %mul3A_297 = arith.constant 16 : i32
      %mul3A_298 = arith.muli %select_n3A, %mul3A_297 : i32
      %add3A_299 = vector.broadcast %mul3A_298 : i32 to vector<16xi32>
      %add3A_300 = arith.addi %add3A_299, %select_n3A_295 : vector<16xi32>
      %mul3A_301 = arith.constant 20480 : i32
      %mul3A_302 = vector.broadcast %mul3A_301 : i32 to vector<16xi32>
      %mul3A_303 = arith.muli %add3A_300, %mul3A_302 : vector<16xi32>
      %sub3A_304 = arith.subi %select_n3A_270, %gather3A_296 : vector<16xi32>
      %add3A_305 = arith.addi %mul3A_303, %sub3A_304 : vector<16xi32>
      %broadcast_in_dim3A_306 = vector.broadcast %mul3A_121 : i32 to vector<16xi32>
      %select_n3A_307 = arith.select %gt3A_147, %add3A_305, %broadcast_in_dim3A_306 : vector<16xi32>
      %mul3A_308 = arith.constant 16 : i32
      %mul3A_309 = arith.muli %while3A_244, %mul3A_308 : i32
      %swap3A_310 = arith.index_cast %mul3A_309 : i32 to index
      %swap3A_311 = tpu.vector_load %arg11[%swap3A_310] {strides = array<i32>} : memref<1280xi32, #tpu.memory_space<vmem>>, vector<16xi32>,
      tpu.vector_store %arg11[%swap3A_310], %select_n3A_307 {strides = array<i32>} : memref<1280xi32, #tpu.memory_space<vmem>>, vector<16xi32>,
    }
    %while3A_165 = arith.constant 0 : i32
    %while3A_166 = arith.constant 0 : i32
    %while3A_167 = arith.subi %select_n3A_144, %while3A_166 : i32
    %while3A_168 = arith.addi %while3A_166, %while3A_167 : i32
    %while3A_169 = arith.constant 1 : i32
    %while3A_170 = arith.divsi %while3A_167, %while3A_169 : i32
    %while3A_171 = arith.muli %while3A_170, %while3A_169 : i32
    %while3A_172 = arith.addi %while3A_166, %while3A_171 : i32
    %while3A_173 = arith.constant 1 : i32
    scf.for %while3A_244 = %while3A_166 to %while3A_172 step %while3A_173  : i32 {
      %mul3A_245 = arith.constant 128 : i32
      %mul3A_246 = arith.muli %while3A_244, %mul3A_245 : i32
      %mul3A_247 = arith.constant 128 : i32
      %mul3A_248 = arith.muli %while3A_244, %mul3A_247 : i32
      %dma_start3A = tpu.memref_slice %arg12[%mul3A_248] : memref<1280xi32, #tpu.memory_space<vmem>> -> memref<128xi32, #tpu.memory_space<vmem>>
      %dma_start3A_249 = tpu.memref_slice %arg11[%mul3A_246] : memref<1280xi32, #tpu.memory_space<vmem>> -> memref<128xi32, #tpu.memory_space<vmem>>
      %dma_start3A_250 = arith.constant 0 : i32
      %dma_start3A_251 = tpu.memref_slice %arg4[%dma_start3A_250] : memref<1310720xi32, #tpu.memory_space<hbm>> -> memref<1310720xi32, #tpu.memory_space<hbm>>
      tpu.enqueue_indirect_dma source(%dma_start3A_251 : memref<1310720xi32, #tpu.memory_space<hbm>>) target(%dma_start3A : memref<128xi32, #tpu.memory_space<vmem>>) offsets(%dma_start3A_249 : memref<128xi32, #tpu.memory_space<vmem>>) semaphore(%arg16 : memref<!tpu.dma_semaphore, #tpu.memory_space<semaphore_mem>>)
    }
    %while3A_174 = arith.constant 1 : i32
    scf.for %while3A_244 = %while3A_172 to %while3A_168 step %while3A_174  : i32 {
      %mul3A_245 = arith.constant 128 : i32
      %mul3A_246 = arith.muli %while3A_244, %mul3A_245 : i32
      %mul3A_247 = arith.constant 128 : i32
      %mul3A_248 = arith.muli %while3A_244, %mul3A_247 : i32
      %dma_start3A = tpu.memref_slice %arg12[%mul3A_248] : memref<1280xi32, #tpu.memory_space<vmem>> -> memref<128xi32, #tpu.memory_space<vmem>>
      %dma_start3A_249 = tpu.memref_slice %arg11[%mul3A_246] : memref<1280xi32, #tpu.memory_space<vmem>> -> memref<128xi32, #tpu.memory_space<vmem>>
      %dma_start3A_250 = arith.constant 0 : i32
      %dma_start3A_251 = tpu.memref_slice %arg4[%dma_start3A_250] : memref<1310720xi32, #tpu.memory_space<hbm>> -> memref<1310720xi32, #tpu.memory_space<hbm>>
      tpu.enqueue_indirect_dma source(%dma_start3A_251 : memref<1310720xi32, #tpu.memory_space<hbm>>) target(%dma_start3A : memref<128xi32, #tpu.memory_space<vmem>>) offsets(%dma_start3A_249 : memref<128xi32, #tpu.memory_space<vmem>>) semaphore(%arg16 : memref<!tpu.dma_semaphore, #tpu.memory_space<semaphore_mem>>)
    }
    %while3A_175 = arith.constant 0 : i32
    %while3A_176 = arith.constant 0 : i32
    %while3A_177 = arith.subi %select_n3A_144, %while3A_176 : i32
    %while3A_178 = arith.addi %while3A_176, %while3A_177 : i32
    %while3A_179 = arith.constant 1 : i32
    %while3A_180 = arith.divsi %while3A_177, %while3A_179 : i32
    %while3A_181 = arith.muli %while3A_180, %while3A_179 : i32
    %while3A_182 = arith.addi %while3A_176, %while3A_181 : i32
    %while3A_183 = arith.constant 1 : i32
    scf.for %while3A_244 = %while3A_176 to %while3A_182 step %while3A_183  : i32 {
      %mul3A_245 = arith.constant 128 : i32
      %mul3A_246 = arith.muli %while3A_244, %mul3A_245 : i32
      %dma_wait3A = tpu.memref_slice %arg12[%mul3A_246] : memref<1280xi32, #tpu.memory_space<vmem>> -> memref<128xi32, #tpu.memory_space<vmem>>
      %dma_wait3A_247 = arith.constant 0 : i32
      %dma_wait3A_248 = tpu.memref_slice %arg4[%dma_wait3A_247] : memref<1310720xi32, #tpu.memory_space<hbm>> -> memref<128xi32, #tpu.memory_space<hbm>>
      %dma_wait3A_249 = tpu.memref_slice %arg12[%mul3A_246] : memref<1280xi32, #tpu.memory_space<vmem>> -> memref<128xi32, #tpu.memory_space<vmem>>
      %dma_wait3A_250 = arith.constant 0 : i32
      %dma_wait3A_251 = tpu.memref_slice %arg4[%dma_wait3A_250] : memref<1310720xi32, #tpu.memory_space<hbm>> -> memref<128xi32, #tpu.memory_space<hbm>>
      tpu.wait_dma2 semaphore(%arg16 : memref<!tpu.dma_semaphore, #tpu.memory_space<semaphore_mem>>) src(%dma_wait3A_251 : memref<128xi32, #tpu.memory_space<hbm>>) dst(%dma_wait3A_249 : memref<128xi32, #tpu.memory_space<vmem>>)
    }
    %while3A_184 = arith.constant 1 : i32
    scf.for %while3A_244 = %while3A_182 to %while3A_178 step %while3A_184  : i32 {
      %mul3A_245 = arith.constant 128 : i32
      %mul3A_246 = arith.muli %while3A_244, %mul3A_245 : i32
      %dma_wait3A = tpu.memref_slice %arg12[%mul3A_246] : memref<1280xi32, #tpu.memory_space<vmem>> -> memref<128xi32, #tpu.memory_space<vmem>>
      %dma_wait3A_247 = arith.constant 0 : i32
      %dma_wait3A_248 = tpu.memref_slice %arg4[%dma_wait3A_247] : memref<1310720xi32, #tpu.memory_space<hbm>> -> memref<128xi32, #tpu.memory_space<hbm>>
      %dma_wait3A_249 = tpu.memref_slice %arg12[%mul3A_246] : memref<1280xi32, #tpu.memory_space<vmem>> -> memref<128xi32, #tpu.memory_space<vmem>>
      %dma_wait3A_250 = arith.constant 0 : i32
      %dma_wait3A_251 = tpu.memref_slice %arg4[%dma_wait3A_250] : memref<1310720xi32, #tpu.memory_space<hbm>> -> memref<128xi32, #tpu.memory_space<hbm>>
      tpu.wait_dma2 semaphore(%arg16 : memref<!tpu.dma_semaphore, #tpu.memory_space<semaphore_mem>>) src(%dma_wait3A_251 : memref<128xi32, #tpu.memory_space<hbm>>) dst(%dma_wait3A_249 : memref<128xi32, #tpu.memory_space<vmem>>)
    }
    %select_n3A_185 = arith.select %gt3A_147, %select_n3A, %select_n3A_99 : i32
    %while3A_186 = arith.constant 0 : i32
    %while3A_187 = arith.constant 0 : i32
    %while3A_188 = arith.subi %select_n3A_139, %while3A_187 : i32
    %while3A_189 = arith.addi %while3A_187, %while3A_188 : i32
    %while3A_190 = arith.constant 1 : i32
    %while3A_191 = arith.divsi %while3A_188, %while3A_190 : i32
    %while3A_192 = arith.muli %while3A_191, %while3A_190 : i32
    %while3A_193 = arith.addi %while3A_187, %while3A_192 : i32
    %while3A_194 = arith.constant 1 : i32
    scf.for %while3A_244 = %while3A_187 to %while3A_193 step %while3A_194  : i32 {
      %mul3A_245 = arith.constant 16 : i32
      %mul3A_246 = arith.muli %while3A_244, %mul3A_245 : i32
      %get3A = arith.index_cast %mul3A_246 : i32 to index
      %get3A_247 = tpu.vector_load %arg12[%get3A] {strides = array<i32>} : memref<1280xi32, #tpu.memory_space<vmem>>, vector<16xi32>,
      %mul3A_248 = arith.constant 327680 : i32
      %mul3A_249 = arith.muli %select_n3A_185, %mul3A_248 : i32
      %add3A_250 = vector.broadcast %mul3A_249 : i32 to vector<16xi32>
      %add3A_251 = arith.addi %add3A_250, %get3A_247 : vector<16xi32>
      %jit3A_252 = arith.constant 0 : i32
      %jit3A_253 = arith.constant 1310719 : i32
      %max3A_254 = vector.broadcast %jit3A_252 : i32 to vector<16xi32>
      %max3A_255 = arith.maxsi %max3A_254, %add3A_251 : vector<16xi32>
      %min3A_256 = vector.broadcast %jit3A_253 : i32 to vector<16xi32>
      %min3A_257 = arith.minsi %min3A_256, %max3A_255 : vector<16xi32>
      %mul3A_258 = arith.constant 16 : i32
      %mul3A_259 = arith.muli %while3A_244, %mul3A_258 : i32
      %swap3A_260 = arith.index_cast %mul3A_259 : i32 to index
      %swap3A_261 = tpu.vector_load %arg11[%swap3A_260] {strides = array<i32>} : memref<1280xi32, #tpu.memory_space<vmem>>, vector<16xi32>,
      tpu.vector_store %arg11[%swap3A_260], %min3A_257 {strides = array<i32>} : memref<1280xi32, #tpu.memory_space<vmem>>, vector<16xi32>,
    }
    %while3A_195 = arith.constant 1 : i32
    scf.for %while3A_244 = %while3A_193 to %while3A_189 step %while3A_195  : i32 {
      %mul3A_245 = arith.constant 16 : i32
      %mul3A_246 = arith.muli %while3A_244, %mul3A_245 : i32
      %get3A = arith.index_cast %mul3A_246 : i32 to index
      %get3A_247 = tpu.vector_load %arg12[%get3A] {strides = array<i32>} : memref<1280xi32, #tpu.memory_space<vmem>>, vector<16xi32>,
      %mul3A_248 = arith.constant 327680 : i32
      %mul3A_249 = arith.muli %select_n3A_185, %mul3A_248 : i32
      %add3A_250 = vector.broadcast %mul3A_249 : i32 to vector<16xi32>
      %add3A_251 = arith.addi %add3A_250, %get3A_247 : vector<16xi32>
      %jit3A_252 = arith.constant 0 : i32
      %jit3A_253 = arith.constant 1310719 : i32
      %max3A_254 = vector.broadcast %jit3A_252 : i32 to vector<16xi32>
      %max3A_255 = arith.maxsi %max3A_254, %add3A_251 : vector<16xi32>
      %min3A_256 = vector.broadcast %jit3A_253 : i32 to vector<16xi32>
      %min3A_257 = arith.minsi %min3A_256, %max3A_255 : vector<16xi32>
      %mul3A_258 = arith.constant 16 : i32
      %mul3A_259 = arith.muli %while3A_244, %mul3A_258 : i32
      %swap3A_260 = arith.index_cast %mul3A_259 : i32 to index
      %swap3A_261 = tpu.vector_load %arg11[%swap3A_260] {strides = array<i32>} : memref<1280xi32, #tpu.memory_space<vmem>>, vector<16xi32>,
      tpu.vector_store %arg11[%swap3A_260], %min3A_257 {strides = array<i32>} : memref<1280xi32, #tpu.memory_space<vmem>>, vector<16xi32>,
    }
    %while3A_196 = arith.constant 0 : i32
    %while3A_197 = arith.constant 0 : i32
    %while3A_198 = arith.subi %select_n3A_144, %while3A_197 : i32
    %while3A_199 = arith.addi %while3A_197, %while3A_198 : i32
    %while3A_200 = arith.constant 1 : i32
    %while3A_201 = arith.divsi %while3A_198, %while3A_200 : i32
    %while3A_202 = arith.muli %while3A_201, %while3A_200 : i32
    %while3A_203 = arith.addi %while3A_197, %while3A_202 : i32
    %while3A_204 = arith.constant 1 : i32
    scf.for %while3A_244 = %while3A_197 to %while3A_203 step %while3A_204  : i32 {
      %mul3A_245 = arith.constant 128 : i32
      %mul3A_246 = arith.muli %while3A_244, %mul3A_245 : i32
      %mul3A_247 = arith.constant 128 : i32
      %mul3A_248 = arith.muli %while3A_244, %mul3A_247 : i32
      %dma_start3A = tpu.memref_slice %arg13[%mul3A_248] : memref<1280xf32, #tpu.memory_space<vmem>> -> memref<128xf32, #tpu.memory_space<vmem>>
      %dma_start3A_249 = tpu.memref_slice %arg11[%mul3A_246] : memref<1280xi32, #tpu.memory_space<vmem>> -> memref<128xi32, #tpu.memory_space<vmem>>
      %dma_start3A_250 = arith.constant 0 : i32
      %dma_start3A_251 = tpu.memref_slice %arg5[%dma_start3A_250] : memref<1310720xf32, #tpu.memory_space<hbm>> -> memref<1310720xf32, #tpu.memory_space<hbm>>
      tpu.enqueue_indirect_dma source(%dma_start3A_251 : memref<1310720xf32, #tpu.memory_space<hbm>>) target(%dma_start3A : memref<128xf32, #tpu.memory_space<vmem>>) offsets(%dma_start3A_249 : memref<128xi32, #tpu.memory_space<vmem>>) semaphore(%arg16 : memref<!tpu.dma_semaphore, #tpu.memory_space<semaphore_mem>>)
    }
    %while3A_205 = arith.constant 1 : i32
    scf.for %while3A_244 = %while3A_203 to %while3A_199 step %while3A_205  : i32 {
      %mul3A_245 = arith.constant 128 : i32
      %mul3A_246 = arith.muli %while3A_244, %mul3A_245 : i32
      %mul3A_247 = arith.constant 128 : i32
      %mul3A_248 = arith.muli %while3A_244, %mul3A_247 : i32
      %dma_start3A = tpu.memref_slice %arg13[%mul3A_248] : memref<1280xf32, #tpu.memory_space<vmem>> -> memref<128xf32, #tpu.memory_space<vmem>>
      %dma_start3A_249 = tpu.memref_slice %arg11[%mul3A_246] : memref<1280xi32, #tpu.memory_space<vmem>> -> memref<128xi32, #tpu.memory_space<vmem>>
      %dma_start3A_250 = arith.constant 0 : i32
      %dma_start3A_251 = tpu.memref_slice %arg5[%dma_start3A_250] : memref<1310720xf32, #tpu.memory_space<hbm>> -> memref<1310720xf32, #tpu.memory_space<hbm>>
      tpu.enqueue_indirect_dma source(%dma_start3A_251 : memref<1310720xf32, #tpu.memory_space<hbm>>) target(%dma_start3A : memref<128xf32, #tpu.memory_space<vmem>>) offsets(%dma_start3A_249 : memref<128xi32, #tpu.memory_space<vmem>>) semaphore(%arg16 : memref<!tpu.dma_semaphore, #tpu.memory_space<semaphore_mem>>)
    }
    %while3A_206 = arith.constant 0 : i32
    %while3A_207 = arith.constant 0 : i32
    %while3A_208 = arith.subi %select_n3A_144, %while3A_207 : i32
    %while3A_209 = arith.addi %while3A_207, %while3A_208 : i32
    %while3A_210 = arith.constant 1 : i32
    %while3A_211 = arith.divsi %while3A_208, %while3A_210 : i32
    %while3A_212 = arith.muli %while3A_211, %while3A_210 : i32
    %while3A_213 = arith.addi %while3A_207, %while3A_212 : i32
    %while3A_214 = arith.constant 1 : i32
    scf.for %while3A_244 = %while3A_207 to %while3A_213 step %while3A_214  : i32 {
      %mul3A_245 = arith.constant 128 : i32
      %mul3A_246 = arith.muli %while3A_244, %mul3A_245 : i32
      %dma_wait3A = tpu.memref_slice %arg13[%mul3A_246] : memref<1280xf32, #tpu.memory_space<vmem>> -> memref<128xf32, #tpu.memory_space<vmem>>
      %dma_wait3A_247 = arith.constant 0 : i32
      %dma_wait3A_248 = tpu.memref_slice %arg5[%dma_wait3A_247] : memref<1310720xf32, #tpu.memory_space<hbm>> -> memref<128xf32, #tpu.memory_space<hbm>>
      %dma_wait3A_249 = tpu.memref_slice %arg13[%mul3A_246] : memref<1280xf32, #tpu.memory_space<vmem>> -> memref<128xf32, #tpu.memory_space<vmem>>
      %dma_wait3A_250 = arith.constant 0 : i32
      %dma_wait3A_251 = tpu.memref_slice %arg5[%dma_wait3A_250] : memref<1310720xf32, #tpu.memory_space<hbm>> -> memref<128xf32, #tpu.memory_space<hbm>>
      tpu.wait_dma2 semaphore(%arg16 : memref<!tpu.dma_semaphore, #tpu.memory_space<semaphore_mem>>) src(%dma_wait3A_251 : memref<128xf32, #tpu.memory_space<hbm>>) dst(%dma_wait3A_249 : memref<128xf32, #tpu.memory_space<vmem>>)
    }
    %while3A_215 = arith.constant 1 : i32
    scf.for %while3A_244 = %while3A_213 to %while3A_209 step %while3A_215  : i32 {
      %mul3A_245 = arith.constant 128 : i32
      %mul3A_246 = arith.muli %while3A_244, %mul3A_245 : i32
      %dma_wait3A = tpu.memref_slice %arg13[%mul3A_246] : memref<1280xf32, #tpu.memory_space<vmem>> -> memref<128xf32, #tpu.memory_space<vmem>>
      %dma_wait3A_247 = arith.constant 0 : i32
      %dma_wait3A_248 = tpu.memref_slice %arg5[%dma_wait3A_247] : memref<1310720xf32, #tpu.memory_space<hbm>> -> memref<128xf32, #tpu.memory_space<hbm>>
      %dma_wait3A_249 = tpu.memref_slice %arg13[%mul3A_246] : memref<1280xf32, #tpu.memory_space<vmem>> -> memref<128xf32, #tpu.memory_space<vmem>>
      %dma_wait3A_250 = arith.constant 0 : i32
      %dma_wait3A_251 = tpu.memref_slice %arg5[%dma_wait3A_250] : memref<1310720xf32, #tpu.memory_space<hbm>> -> memref<128xf32, #tpu.memory_space<hbm>>
      tpu.wait_dma2 semaphore(%arg16 : memref<!tpu.dma_semaphore, #tpu.memory_space<semaphore_mem>>) src(%dma_wait3A_251 : memref<128xf32, #tpu.memory_space<hbm>>) dst(%dma_wait3A_249 : memref<128xf32, #tpu.memory_space<vmem>>)
    }
    %while3A_216 = arith.constant 0 : i32
    %while3A_217 = arith.constant 0 : i32
    %while3A_218 = arith.subi %select_n3A_139, %while3A_217 : i32
    %while3A_219 = arith.addi %while3A_217, %while3A_218 : i32
    %while3A_220 = arith.constant 1 : i32
    %while3A_221 = arith.divsi %while3A_218, %while3A_220 : i32
    %while3A_222 = arith.muli %while3A_221, %while3A_220 : i32
    %while3A_223 = arith.addi %while3A_217, %while3A_222 : i32
    %while3A_224 = arith.constant 1 : i32
    scf.for %while3A_244 = %while3A_217 to %while3A_223 step %while3A_224  : i32 {
      %mul3A_245 = arith.constant 16 : i32
      %mul3A_246 = arith.muli %while3A_244, %mul3A_245 : i32
      %get3A = arith.index_cast %mul3A_246 : i32 to index
      %get3A_247 = tpu.vector_load %arg11[%get3A] {strides = array<i32>} : memref<1280xi32, #tpu.memory_space<vmem>>, vector<16xi32>,
      %mul3A_248 = arith.constant 16 : i32
      %mul3A_249 = arith.muli %while3A_244, %mul3A_248 : i32
      %get3A_250 = arith.index_cast %mul3A_249 : i32 to index
      %get3A_251 = tpu.vector_load %arg13[%get3A_250] {strides = array<i32>} : memref<1280xf32, #tpu.memory_space<vmem>>, vector<16xf32>,
      %ge3A = arith.constant 327680 : i32
      %ge3A_252 = vector.broadcast %ge3A : i32 to vector<16xi32>
      %ge3A_253 = arith.cmpi sge, %get3A_247, %ge3A_252 : vector<16xi32>
      %convert_element_type3A_254 = arith.extui %ge3A_253 : vector<16xi1> to vector<16xi32>
      %ge3A_255 = arith.constant 655360 : i32
      %ge3A_256 = vector.broadcast %ge3A_255 : i32 to vector<16xi32>
      %ge3A_257 = arith.cmpi sge, %get3A_247, %ge3A_256 : vector<16xi32>
      %convert_element_type3A_258 = arith.extui %ge3A_257 : vector<16xi1> to vector<16xi32>
      %add3A_259 = arith.addi %convert_element_type3A_254, %convert_element_type3A_258 : vector<16xi32>
      %ge3A_260 = arith.constant 983040 : i32
      %ge3A_261 = vector.broadcast %ge3A_260 : i32 to vector<16xi32>
      %ge3A_262 = arith.cmpi sge, %get3A_247, %ge3A_261 : vector<16xi32>
      %convert_element_type3A_263 = arith.extui %ge3A_262 : vector<16xi1> to vector<16xi32>
      %add3A_264 = arith.addi %add3A_259, %convert_element_type3A_263 : vector<16xi32>
      %mul3A_265 = arith.constant 327680 : i32
      %mul3A_266 = vector.broadcast %mul3A_265 : i32 to vector<16xi32>
      %mul3A_267 = arith.muli %add3A_264, %mul3A_266 : vector<16xi32>
      %sub3A_268 = arith.subi %get3A_247, %mul3A_267 : vector<16xi32>
      %shift_right_logical3A = arith.constant 10 : i32
      %shift_right_logical3A_269 = vector.broadcast %shift_right_logical3A : i32 to vector<16xi32>
      %shift_right_logical3A_270 = arith.shrui %sub3A_268, %shift_right_logical3A_269 : vector<16xi32>
      %convert_element_type3A_271 = arith.sitofp %shift_right_logical3A_270 : vector<16xi32> to vector<16xf32>
      %and3A_272 = arith.constant 1023 : i32
      %and3A_273 = vector.broadcast %and3A_272 : i32 to vector<16xi32>
      %and3A_274 = arith.andi %sub3A_268, %and3A_273 : vector<16xi32>
      %convert_element_type3A_275 = arith.sitofp %and3A_274 : vector<16xi32> to vector<16xf32>
      %mul3A_276 = arith.mulf %convert_element_type3A_275, %get3A_251 : vector<16xf32>
      %mul3A_277 = arith.mulf %convert_element_type3A_271, %get3A_251 : vector<16xf32>
      %mul3A_278 = arith.constant 16 : i32
      %mul3A_279 = vector.broadcast %mul3A_278 : i32 to vector<16xi32>
      %mul3A_280 = arith.muli %add3A_264, %mul3A_279 : vector<16xi32>
      %add3A_281 = arith.constant 0 : i32
      %add3A_282 = vector.broadcast %add3A_281 : i32 to vector<16xi32>
      %add3A_283 = arith.addi %mul3A_280, %add3A_282 : vector<16xi32>
      %gather3A_284 = tpu.vector_load_idx %arg14[%add3A_283] : memref<64xf32, #tpu.memory_space<vmem>>[vector<16xi32>], vector<16xf32>,
      %add3A_285 = arith.constant 1 : i32
      %add3A_286 = vector.broadcast %add3A_285 : i32 to vector<16xi32>
      %add3A_287 = arith.addi %mul3A_280, %add3A_286 : vector<16xi32>
      %gather3A_288 = tpu.vector_load_idx %arg14[%add3A_287] : memref<64xf32, #tpu.memory_space<vmem>>[vector<16xi32>], vector<16xf32>,
      %add3A_289 = arith.constant 2 : i32
      %add3A_290 = vector.broadcast %add3A_289 : i32 to vector<16xi32>
      %add3A_291 = arith.addi %mul3A_280, %add3A_290 : vector<16xi32>
      %gather3A_292 = tpu.vector_load_idx %arg14[%add3A_291] : memref<64xf32, #tpu.memory_space<vmem>>[vector<16xi32>], vector<16xf32>,
      %add3A_293 = arith.constant 3 : i32
      %add3A_294 = vector.broadcast %add3A_293 : i32 to vector<16xi32>
      %add3A_295 = arith.addi %mul3A_280, %add3A_294 : vector<16xi32>
      %gather3A_296 = tpu.vector_load_idx %arg14[%add3A_295] : memref<64xf32, #tpu.memory_space<vmem>>[vector<16xi32>], vector<16xf32>,
      %mul3A_297 = arith.mulf %gather3A_284, %mul3A_276 : vector<16xf32>
      %mul3A_298 = arith.mulf %gather3A_288, %mul3A_277 : vector<16xf32>
      %add3A_299 = arith.addf %mul3A_297, %mul3A_298 : vector<16xf32>
      %mul3A_300 = arith.mulf %gather3A_292, %get3A_251 : vector<16xf32>
      %add3A_301 = arith.addf %add3A_299, %mul3A_300 : vector<16xf32>
      %add3A_302 = arith.addf %add3A_301, %gather3A_296 : vector<16xf32>
      %mul3A_303 = vector.broadcast %select_n3A_134 : f32 to vector<16xf32>
      %mul3A_304 = arith.mulf %add3A_302, %mul3A_303 : vector<16xf32>
      %mul3A_305 = arith.constant 16 : i32
      %mul3A_306 = arith.muli %while3A_244, %mul3A_305 : i32
      %add3A_307 = arith.constant 0 : i32
      %add3A_308 = arith.addi %add3A_307, %mul3A_306 : i32
      %swap3A_309 = arith.index_cast %add3A_308 : i32 to index
      %swap3A_310 = tpu.vector_load %arg15[%swap3A_309] {strides = array<i32>} : memref<3792xf32, #tpu.memory_space<vmem>>, vector<16xf32>,
      tpu.vector_store %arg15[%swap3A_309], %mul3A_304 {strides = array<i32>} : memref<3792xf32, #tpu.memory_space<vmem>>, vector<16xf32>,
      %add3A_311 = arith.constant 4 : i32
      %add3A_312 = vector.broadcast %add3A_311 : i32 to vector<16xi32>
      %add3A_313 = arith.addi %mul3A_280, %add3A_312 : vector<16xi32>
      %gather3A_314 = tpu.vector_load_idx %arg14[%add3A_313] : memref<64xf32, #tpu.memory_space<vmem>>[vector<16xi32>], vector<16xf32>,
      %add3A_315 = arith.constant 5 : i32
      %add3A_316 = vector.broadcast %add3A_315 : i32 to vector<16xi32>
      %add3A_317 = arith.addi %mul3A_280, %add3A_316 : vector<16xi32>
      %gather3A_318 = tpu.vector_load_idx %arg14[%add3A_317] : memref<64xf32, #tpu.memory_space<vmem>>[vector<16xi32>], vector<16xf32>,
      %add3A_319 = arith.constant 6 : i32
      %add3A_320 = vector.broadcast %add3A_319 : i32 to vector<16xi32>
      %add3A_321 = arith.addi %mul3A_280, %add3A_320 : vector<16xi32>
      %gather3A_322 = tpu.vector_load_idx %arg14[%add3A_321] : memref<64xf32, #tpu.memory_space<vmem>>[vector<16xi32>], vector<16xf32>,
      %add3A_323 = arith.constant 7 : i32
      %add3A_324 = vector.broadcast %add3A_323 : i32 to vector<16xi32>
      %add3A_325 = arith.addi %mul3A_280, %add3A_324 : vector<16xi32>
      %gather3A_326 = tpu.vector_load_idx %arg14[%add3A_325] : memref<64xf32, #tpu.memory_space<vmem>>[vector<16xi32>], vector<16xf32>,
      %mul3A_327 = arith.mulf %gather3A_314, %mul3A_276 : vector<16xf32>
      %mul3A_328 = arith.mulf %gather3A_318, %mul3A_277 : vector<16xf32>
      %add3A_329 = arith.addf %mul3A_327, %mul3A_328 : vector<16xf32>
      %mul3A_330 = arith.mulf %gather3A_322, %get3A_251 : vector<16xf32>
      %add3A_331 = arith.addf %add3A_329, %mul3A_330 : vector<16xf32>
      %add3A_332 = arith.addf %add3A_331, %gather3A_326 : vector<16xf32>
      %mul3A_333 = vector.broadcast %select_n3A_134 : f32 to vector<16xf32>
      %mul3A_334 = arith.mulf %add3A_332, %mul3A_333 : vector<16xf32>
      %mul3A_335 = arith.constant 16 : i32
      %mul3A_336 = arith.muli %while3A_244, %mul3A_335 : i32
      %add3A_337 = arith.constant 1264 : i32
      %add3A_338 = arith.addi %add3A_337, %mul3A_336 : i32
      %swap3A_339 = arith.index_cast %add3A_338 : i32 to index
      %swap3A_340 = tpu.vector_load %arg15[%swap3A_339] {strides = array<i32>} : memref<3792xf32, #tpu.memory_space<vmem>>, vector<16xf32>,
      tpu.vector_store %arg15[%swap3A_339], %mul3A_334 {strides = array<i32>} : memref<3792xf32, #tpu.memory_space<vmem>>, vector<16xf32>,
      %add3A_341 = arith.constant 8 : i32
      %add3A_342 = vector.broadcast %add3A_341 : i32 to vector<16xi32>
      %add3A_343 = arith.addi %mul3A_280, %add3A_342 : vector<16xi32>
      %gather3A_344 = tpu.vector_load_idx %arg14[%add3A_343] : memref<64xf32, #tpu.memory_space<vmem>>[vector<16xi32>], vector<16xf32>,
      %add3A_345 = arith.constant 9 : i32
      %add3A_346 = vector.broadcast %add3A_345 : i32 to vector<16xi32>
      %add3A_347 = arith.addi %mul3A_280, %add3A_346 : vector<16xi32>
      %gather3A_348 = tpu.vector_load_idx %arg14[%add3A_347] : memref<64xf32, #tpu.memory_space<vmem>>[vector<16xi32>], vector<16xf32>,
      %add3A_349 = arith.constant 10 : i32
      %add3A_350 = vector.broadcast %add3A_349 : i32 to vector<16xi32>
      %add3A_351 = arith.addi %mul3A_280, %add3A_350 : vector<16xi32>
      %gather3A_352 = tpu.vector_load_idx %arg14[%add3A_351] : memref<64xf32, #tpu.memory_space<vmem>>[vector<16xi32>], vector<16xf32>,
      %add3A_353 = arith.constant 11 : i32
      %add3A_354 = vector.broadcast %add3A_353 : i32 to vector<16xi32>
      %add3A_355 = arith.addi %mul3A_280, %add3A_354 : vector<16xi32>
      %gather3A_356 = tpu.vector_load_idx %arg14[%add3A_355] : memref<64xf32, #tpu.memory_space<vmem>>[vector<16xi32>], vector<16xf32>,
      %mul3A_357 = arith.mulf %gather3A_344, %mul3A_276 : vector<16xf32>
      %mul3A_358 = arith.mulf %gather3A_348, %mul3A_277 : vector<16xf32>
      %add3A_359 = arith.addf %mul3A_357, %mul3A_358 : vector<16xf32>
      %mul3A_360 = arith.mulf %gather3A_352, %get3A_251 : vector<16xf32>
      %add3A_361 = arith.addf %add3A_359, %mul3A_360 : vector<16xf32>
      %add3A_362 = arith.addf %add3A_361, %gather3A_356 : vector<16xf32>
      %mul3A_363 = vector.broadcast %select_n3A_134 : f32 to vector<16xf32>
      %mul3A_364 = arith.mulf %add3A_362, %mul3A_363 : vector<16xf32>
      %mul3A_365 = arith.constant 16 : i32
      %mul3A_366 = arith.muli %while3A_244, %mul3A_365 : i32
      %add3A_367 = arith.constant 2528 : i32
      %add3A_368 = arith.addi %add3A_367, %mul3A_366 : i32
      %swap3A_369 = arith.index_cast %add3A_368 : i32 to index
      %swap3A_370 = tpu.vector_load %arg15[%swap3A_369] {strides = array<i32>} : memref<3792xf32, #tpu.memory_space<vmem>>, vector<16xf32>,
      tpu.vector_store %arg15[%swap3A_369], %mul3A_364 {strides = array<i32>} : memref<3792xf32, #tpu.memory_space<vmem>>, vector<16xf32>,
    }
    %while3A_225 = arith.constant 1 : i32
    scf.for %while3A_244 = %while3A_223 to %while3A_219 step %while3A_225  : i32 {
      %mul3A_245 = arith.constant 16 : i32
      %mul3A_246 = arith.muli %while3A_244, %mul3A_245 : i32
      %get3A = arith.index_cast %mul3A_246 : i32 to index
      %get3A_247 = tpu.vector_load %arg11[%get3A] {strides = array<i32>} : memref<1280xi32, #tpu.memory_space<vmem>>, vector<16xi32>,
      %mul3A_248 = arith.constant 16 : i32
      %mul3A_249 = arith.muli %while3A_244, %mul3A_248 : i32
      %get3A_250 = arith.index_cast %mul3A_249 : i32 to index
      %get3A_251 = tpu.vector_load %arg13[%get3A_250] {strides = array<i32>} : memref<1280xf32, #tpu.memory_space<vmem>>, vector<16xf32>,
      %ge3A = arith.constant 327680 : i32
      %ge3A_252 = vector.broadcast %ge3A : i32 to vector<16xi32>
      %ge3A_253 = arith.cmpi sge, %get3A_247, %ge3A_252 : vector<16xi32>
      %convert_element_type3A_254 = arith.extui %ge3A_253 : vector<16xi1> to vector<16xi32>
      %ge3A_255 = arith.constant 655360 : i32
      %ge3A_256 = vector.broadcast %ge3A_255 : i32 to vector<16xi32>
      %ge3A_257 = arith.cmpi sge, %get3A_247, %ge3A_256 : vector<16xi32>
      %convert_element_type3A_258 = arith.extui %ge3A_257 : vector<16xi1> to vector<16xi32>
      %add3A_259 = arith.addi %convert_element_type3A_254, %convert_element_type3A_258 : vector<16xi32>
      %ge3A_260 = arith.constant 983040 : i32
      %ge3A_261 = vector.broadcast %ge3A_260 : i32 to vector<16xi32>
      %ge3A_262 = arith.cmpi sge, %get3A_247, %ge3A_261 : vector<16xi32>
      %convert_element_type3A_263 = arith.extui %ge3A_262 : vector<16xi1> to vector<16xi32>
      %add3A_264 = arith.addi %add3A_259, %convert_element_type3A_263 : vector<16xi32>
      %mul3A_265 = arith.constant 327680 : i32
      %mul3A_266 = vector.broadcast %mul3A_265 : i32 to vector<16xi32>
      %mul3A_267 = arith.muli %add3A_264, %mul3A_266 : vector<16xi32>
      %sub3A_268 = arith.subi %get3A_247, %mul3A_267 : vector<16xi32>
      %shift_right_logical3A = arith.constant 10 : i32
      %shift_right_logical3A_269 = vector.broadcast %shift_right_logical3A : i32 to vector<16xi32>
      %shift_right_logical3A_270 = arith.shrui %sub3A_268, %shift_right_logical3A_269 : vector<16xi32>
      %convert_element_type3A_271 = arith.sitofp %shift_right_logical3A_270 : vector<16xi32> to vector<16xf32>
      %and3A_272 = arith.constant 1023 : i32
      %and3A_273 = vector.broadcast %and3A_272 : i32 to vector<16xi32>
      %and3A_274 = arith.andi %sub3A_268, %and3A_273 : vector<16xi32>
      %convert_element_type3A_275 = arith.sitofp %and3A_274 : vector<16xi32> to vector<16xf32>
      %mul3A_276 = arith.mulf %convert_element_type3A_275, %get3A_251 : vector<16xf32>
      %mul3A_277 = arith.mulf %convert_element_type3A_271, %get3A_251 : vector<16xf32>
      %mul3A_278 = arith.constant 16 : i32
      %mul3A_279 = vector.broadcast %mul3A_278 : i32 to vector<16xi32>
      %mul3A_280 = arith.muli %add3A_264, %mul3A_279 : vector<16xi32>
      %add3A_281 = arith.constant 0 : i32
      %add3A_282 = vector.broadcast %add3A_281 : i32 to vector<16xi32>
      %add3A_283 = arith.addi %mul3A_280, %add3A_282 : vector<16xi32>
      %gather3A_284 = tpu.vector_load_idx %arg14[%add3A_283] : memref<64xf32, #tpu.memory_space<vmem>>[vector<16xi32>], vector<16xf32>,
      %add3A_285 = arith.constant 1 : i32
      %add3A_286 = vector.broadcast %add3A_285 : i32 to vector<16xi32>
      %add3A_287 = arith.addi %mul3A_280, %add3A_286 : vector<16xi32>
      %gather3A_288 = tpu.vector_load_idx %arg14[%add3A_287] : memref<64xf32, #tpu.memory_space<vmem>>[vector<16xi32>], vector<16xf32>,
      %add3A_289 = arith.constant 2 : i32
      %add3A_290 = vector.broadcast %add3A_289 : i32 to vector<16xi32>
      %add3A_291 = arith.addi %mul3A_280, %add3A_290 : vector<16xi32>
      %gather3A_292 = tpu.vector_load_idx %arg14[%add3A_291] : memref<64xf32, #tpu.memory_space<vmem>>[vector<16xi32>], vector<16xf32>,
      %add3A_293 = arith.constant 3 : i32
      %add3A_294 = vector.broadcast %add3A_293 : i32 to vector<16xi32>
      %add3A_295 = arith.addi %mul3A_280, %add3A_294 : vector<16xi32>
      %gather3A_296 = tpu.vector_load_idx %arg14[%add3A_295] : memref<64xf32, #tpu.memory_space<vmem>>[vector<16xi32>], vector<16xf32>,
      %mul3A_297 = arith.mulf %gather3A_284, %mul3A_276 : vector<16xf32>
      %mul3A_298 = arith.mulf %gather3A_288, %mul3A_277 : vector<16xf32>
      %add3A_299 = arith.addf %mul3A_297, %mul3A_298 : vector<16xf32>
      %mul3A_300 = arith.mulf %gather3A_292, %get3A_251 : vector<16xf32>
      %add3A_301 = arith.addf %add3A_299, %mul3A_300 : vector<16xf32>
      %add3A_302 = arith.addf %add3A_301, %gather3A_296 : vector<16xf32>
      %mul3A_303 = vector.broadcast %select_n3A_134 : f32 to vector<16xf32>
      %mul3A_304 = arith.mulf %add3A_302, %mul3A_303 : vector<16xf32>
      %mul3A_305 = arith.constant 16 : i32
      %mul3A_306 = arith.muli %while3A_244, %mul3A_305 : i32
      %add3A_307 = arith.constant 0 : i32
      %add3A_308 = arith.addi %add3A_307, %mul3A_306 : i32
      %swap3A_309 = arith.index_cast %add3A_308 : i32 to index
      %swap3A_310 = tpu.vector_load %arg15[%swap3A_309] {strides = array<i32>} : memref<3792xf32, #tpu.memory_space<vmem>>, vector<16xf32>,
      tpu.vector_store %arg15[%swap3A_309], %mul3A_304 {strides = array<i32>} : memref<3792xf32, #tpu.memory_space<vmem>>, vector<16xf32>,
      %add3A_311 = arith.constant 4 : i32
      %add3A_312 = vector.broadcast %add3A_311 : i32 to vector<16xi32>
      %add3A_313 = arith.addi %mul3A_280, %add3A_312 : vector<16xi32>
      %gather3A_314 = tpu.vector_load_idx %arg14[%add3A_313] : memref<64xf32, #tpu.memory_space<vmem>>[vector<16xi32>], vector<16xf32>,
      %add3A_315 = arith.constant 5 : i32
      %add3A_316 = vector.broadcast %add3A_315 : i32 to vector<16xi32>
      %add3A_317 = arith.addi %mul3A_280, %add3A_316 : vector<16xi32>
      %gather3A_318 = tpu.vector_load_idx %arg14[%add3A_317] : memref<64xf32, #tpu.memory_space<vmem>>[vector<16xi32>], vector<16xf32>,
      %add3A_319 = arith.constant 6 : i32
      %add3A_320 = vector.broadcast %add3A_319 : i32 to vector<16xi32>
      %add3A_321 = arith.addi %mul3A_280, %add3A_320 : vector<16xi32>
      %gather3A_322 = tpu.vector_load_idx %arg14[%add3A_321] : memref<64xf32, #tpu.memory_space<vmem>>[vector<16xi32>], vector<16xf32>,
      %add3A_323 = arith.constant 7 : i32
      %add3A_324 = vector.broadcast %add3A_323 : i32 to vector<16xi32>
      %add3A_325 = arith.addi %mul3A_280, %add3A_324 : vector<16xi32>
      %gather3A_326 = tpu.vector_load_idx %arg14[%add3A_325] : memref<64xf32, #tpu.memory_space<vmem>>[vector<16xi32>], vector<16xf32>,
      %mul3A_327 = arith.mulf %gather3A_314, %mul3A_276 : vector<16xf32>
      %mul3A_328 = arith.mulf %gather3A_318, %mul3A_277 : vector<16xf32>
      %add3A_329 = arith.addf %mul3A_327, %mul3A_328 : vector<16xf32>
      %mul3A_330 = arith.mulf %gather3A_322, %get3A_251 : vector<16xf32>
      %add3A_331 = arith.addf %add3A_329, %mul3A_330 : vector<16xf32>
      %add3A_332 = arith.addf %add3A_331, %gather3A_326 : vector<16xf32>
      %mul3A_333 = vector.broadcast %select_n3A_134 : f32 to vector<16xf32>
      %mul3A_334 = arith.mulf %add3A_332, %mul3A_333 : vector<16xf32>
      %mul3A_335 = arith.constant 16 : i32
      %mul3A_336 = arith.muli %while3A_244, %mul3A_335 : i32
      %add3A_337 = arith.constant 1264 : i32
      %add3A_338 = arith.addi %add3A_337, %mul3A_336 : i32
      %swap3A_339 = arith.index_cast %add3A_338 : i32 to index
      %swap3A_340 = tpu.vector_load %arg15[%swap3A_339] {strides = array<i32>} : memref<3792xf32, #tpu.memory_space<vmem>>, vector<16xf32>,
      tpu.vector_store %arg15[%swap3A_339], %mul3A_334 {strides = array<i32>} : memref<3792xf32, #tpu.memory_space<vmem>>, vector<16xf32>,
      %add3A_341 = arith.constant 8 : i32
      %add3A_342 = vector.broadcast %add3A_341 : i32 to vector<16xi32>
      %add3A_343 = arith.addi %mul3A_280, %add3A_342 : vector<16xi32>
      %gather3A_344 = tpu.vector_load_idx %arg14[%add3A_343] : memref<64xf32, #tpu.memory_space<vmem>>[vector<16xi32>], vector<16xf32>,
      %add3A_345 = arith.constant 9 : i32
      %add3A_346 = vector.broadcast %add3A_345 : i32 to vector<16xi32>
      %add3A_347 = arith.addi %mul3A_280, %add3A_346 : vector<16xi32>
      %gather3A_348 = tpu.vector_load_idx %arg14[%add3A_347] : memref<64xf32, #tpu.memory_space<vmem>>[vector<16xi32>], vector<16xf32>,
      %add3A_349 = arith.constant 10 : i32
      %add3A_350 = vector.broadcast %add3A_349 : i32 to vector<16xi32>
      %add3A_351 = arith.addi %mul3A_280, %add3A_350 : vector<16xi32>
      %gather3A_352 = tpu.vector_load_idx %arg14[%add3A_351] : memref<64xf32, #tpu.memory_space<vmem>>[vector<16xi32>], vector<16xf32>,
      %add3A_353 = arith.constant 11 : i32
      %add3A_354 = vector.broadcast %add3A_353 : i32 to vector<16xi32>
      %add3A_355 = arith.addi %mul3A_280, %add3A_354 : vector<16xi32>
      %gather3A_356 = tpu.vector_load_idx %arg14[%add3A_355] : memref<64xf32, #tpu.memory_space<vmem>>[vector<16xi32>], vector<16xf32>,
      %mul3A_357 = arith.mulf %gather3A_344, %mul3A_276 : vector<16xf32>
      %mul3A_358 = arith.mulf %gather3A_348, %mul3A_277 : vector<16xf32>
      %add3A_359 = arith.addf %mul3A_357, %mul3A_358 : vector<16xf32>
      %mul3A_360 = arith.mulf %gather3A_352, %get3A_251 : vector<16xf32>
      %add3A_361 = arith.addf %add3A_359, %mul3A_360 : vector<16xf32>
      %add3A_362 = arith.addf %add3A_361, %gather3A_356 : vector<16xf32>
      %mul3A_363 = vector.broadcast %select_n3A_134 : f32 to vector<16xf32>
      %mul3A_364 = arith.mulf %add3A_362, %mul3A_363 : vector<16xf32>
      %mul3A_365 = arith.constant 16 : i32
      %mul3A_366 = arith.muli %while3A_244, %mul3A_365 : i32
      %add3A_367 = arith.constant 2528 : i32
      %add3A_368 = arith.addi %add3A_367, %mul3A_366 : i32
      %swap3A_369 = arith.index_cast %add3A_368 : i32 to index
      %swap3A_370 = tpu.vector_load %arg15[%swap3A_369] {strides = array<i32>} : memref<3792xf32, #tpu.memory_space<vmem>>, vector<16xf32>,
      tpu.vector_store %arg15[%swap3A_369], %mul3A_364 {strides = array<i32>} : memref<3792xf32, #tpu.memory_space<vmem>>, vector<16xf32>,
    }
    %mul3A_226 = arith.constant 30000 : i32
    %mul3A_227 = arith.muli %select_n3A, %mul3A_226 : i32
    %add3A_228 = arith.constant 0 : i32
    %add3A_229 = arith.addi %mul3A_227, %add3A_228 : i32
    %add3A_230 = arith.addi %add3A_229, %mul3A_32 : i32
    "tpu.region"() ({
      %run_scoped3A = tpu.sem_alloc : memref<!tpu.dma_semaphore, #tpu.memory_space<semaphore_mem>>
      %dma_start3A = arith.constant 0 : i32
      %dma_start3A_244 = tpu.memref_slice %arg15[%dma_start3A] : memref<3792xf32, #tpu.memory_space<vmem>> -> memref<1152xf32, #tpu.memory_space<vmem>>
      %dma_start3A_245 = tpu.memref_slice %arg7[%add3A_230] : memref<120000xf32, #tpu.memory_space<hbm>> -> memref<1152xf32, #tpu.memory_space<hbm>>
      %dma_start3A_246 = tpu.memref_slice %arg7[%add3A_230] : memref<120000xf32, #tpu.memory_space<hbm>> -> memref<1152xf32, #tpu.memory_space<hbm>>
      %dma_start3A_247 = arith.constant 0 : i32
      %dma_start3A_248 = tpu.memref_slice %arg15[%dma_start3A_247] : memref<3792xf32, #tpu.memory_space<vmem>> -> memref<1152xf32, #tpu.memory_space<vmem>>
      tpu.enqueue_dma source(%dma_start3A_248 : memref<1152xf32, #tpu.memory_space<vmem>>) target(%dma_start3A_246 : memref<1152xf32, #tpu.memory_space<hbm>>) target_semaphore(%run_scoped3A : memref<!tpu.dma_semaphore, #tpu.memory_space<semaphore_mem>>)
      %dma_wait3A = arith.constant 0 : i32
      %dma_wait3A_249 = tpu.memref_slice %arg15[%dma_wait3A] : memref<3792xf32, #tpu.memory_space<vmem>> -> memref<1152xf32, #tpu.memory_space<vmem>>
      %dma_wait3A_250 = tpu.memref_slice %arg7[%add3A_230] : memref<120000xf32, #tpu.memory_space<hbm>> -> memref<1152xf32, #tpu.memory_space<hbm>>
      %dma_wait3A_251 = tpu.memref_slice %arg7[%add3A_230] : memref<120000xf32, #tpu.memory_space<hbm>> -> memref<1152xf32, #tpu.memory_space<hbm>>
      %dma_wait3A_252 = arith.constant 0 : i32
      %dma_wait3A_253 = tpu.memref_slice %arg15[%dma_wait3A_252] : memref<3792xf32, #tpu.memory_space<vmem>> -> memref<1152xf32, #tpu.memory_space<vmem>>
      tpu.wait_dma2 semaphore(%run_scoped3A : memref<!tpu.dma_semaphore, #tpu.memory_space<semaphore_mem>>) src(%dma_wait3A_253 : memref<1152xf32, #tpu.memory_space<vmem>>) dst(%dma_wait3A_251 : memref<1152xf32, #tpu.memory_space<hbm>>)
      tpu.yield
    }) : () -> ()
    %mul3A_231 = arith.constant 30000 : i32
    %mul3A_232 = arith.muli %select_n3A, %mul3A_231 : i32
    %add3A_233 = arith.constant 10000 : i32
    %add3A_234 = arith.addi %mul3A_232, %add3A_233 : i32
    %add3A_235 = arith.addi %add3A_234, %mul3A_32 : i32
    "tpu.region"() ({
      %run_scoped3A = tpu.sem_alloc : memref<!tpu.dma_semaphore, #tpu.memory_space<semaphore_mem>>
      %dma_start3A = arith.constant 1264 : i32
      %dma_start3A_244 = tpu.memref_slice %arg15[%dma_start3A] : memref<3792xf32, #tpu.memory_space<vmem>> -> memref<1152xf32, #tpu.memory_space<vmem>>
      %dma_start3A_245 = tpu.memref_slice %arg7[%add3A_235] : memref<120000xf32, #tpu.memory_space<hbm>> -> memref<1152xf32, #tpu.memory_space<hbm>>
      %dma_start3A_246 = tpu.memref_slice %arg7[%add3A_235] : memref<120000xf32, #tpu.memory_space<hbm>> -> memref<1152xf32, #tpu.memory_space<hbm>>
      %dma_start3A_247 = arith.constant 1264 : i32
      %dma_start3A_248 = tpu.memref_slice %arg15[%dma_start3A_247] : memref<3792xf32, #tpu.memory_space<vmem>> -> memref<1152xf32, #tpu.memory_space<vmem>>
      tpu.enqueue_dma source(%dma_start3A_248 : memref<1152xf32, #tpu.memory_space<vmem>>) target(%dma_start3A_246 : memref<1152xf32, #tpu.memory_space<hbm>>) target_semaphore(%run_scoped3A : memref<!tpu.dma_semaphore, #tpu.memory_space<semaphore_mem>>)
      %dma_wait3A = arith.constant 1264 : i32
      %dma_wait3A_249 = tpu.memref_slice %arg15[%dma_wait3A] : memref<3792xf32, #tpu.memory_space<vmem>> -> memref<1152xf32, #tpu.memory_space<vmem>>
      %dma_wait3A_250 = tpu.memref_slice %arg7[%add3A_235] : memref<120000xf32, #tpu.memory_space<hbm>> -> memref<1152xf32, #tpu.memory_space<hbm>>
      %dma_wait3A_251 = tpu.memref_slice %arg7[%add3A_235] : memref<120000xf32, #tpu.memory_space<hbm>> -> memref<1152xf32, #tpu.memory_space<hbm>>
      %dma_wait3A_252 = arith.constant 1264 : i32
      %dma_wait3A_253 = tpu.memref_slice %arg15[%dma_wait3A_252] : memref<3792xf32, #tpu.memory_space<vmem>> -> memref<1152xf32, #tpu.memory_space<vmem>>
      tpu.wait_dma2 semaphore(%run_scoped3A : memref<!tpu.dma_semaphore, #tpu.memory_space<semaphore_mem>>) src(%dma_wait3A_253 : memref<1152xf32, #tpu.memory_space<vmem>>) dst(%dma_wait3A_251 : memref<1152xf32, #tpu.memory_space<hbm>>)
      tpu.yield
    }) : () -> ()
    %mul3A_236 = arith.constant 30000 : i32
    %mul3A_237 = arith.muli %select_n3A, %mul3A_236 : i32
    %add3A_238 = arith.constant 20000 : i32
    %add3A_239 = arith.addi %mul3A_237, %add3A_238 : i32
    %add3A_240 = arith.addi %add3A_239, %mul3A_32 : i32
    "tpu.region"() ({
      %run_scoped3A = tpu.sem_alloc : memref<!tpu.dma_semaphore, #tpu.memory_space<semaphore_mem>>
      %dma_start3A = arith.constant 2528 : i32
      %dma_start3A_244 = tpu.memref_slice %arg15[%dma_start3A] : memref<3792xf32, #tpu.memory_space<vmem>> -> memref<1152xf32, #tpu.memory_space<vmem>>
      %dma_start3A_245 = tpu.memref_slice %arg7[%add3A_240] : memref<120000xf32, #tpu.memory_space<hbm>> -> memref<1152xf32, #tpu.memory_space<hbm>>
      %dma_start3A_246 = tpu.memref_slice %arg7[%add3A_240] : memref<120000xf32, #tpu.memory_space<hbm>> -> memref<1152xf32, #tpu.memory_space<hbm>>
      %dma_start3A_247 = arith.constant 2528 : i32
      %dma_start3A_248 = tpu.memref_slice %arg15[%dma_start3A_247] : memref<3792xf32, #tpu.memory_space<vmem>> -> memref<1152xf32, #tpu.memory_space<vmem>>
      tpu.enqueue_dma source(%dma_start3A_248 : memref<1152xf32, #tpu.memory_space<vmem>>) target(%dma_start3A_246 : memref<1152xf32, #tpu.memory_space<hbm>>) target_semaphore(%run_scoped3A : memref<!tpu.dma_semaphore, #tpu.memory_space<semaphore_mem>>)
      %dma_wait3A = arith.constant 2528 : i32
      %dma_wait3A_249 = tpu.memref_slice %arg15[%dma_wait3A] : memref<3792xf32, #tpu.memory_space<vmem>> -> memref<1152xf32, #tpu.memory_space<vmem>>
      %dma_wait3A_250 = tpu.memref_slice %arg7[%add3A_240] : memref<120000xf32, #tpu.memory_space<hbm>> -> memref<1152xf32, #tpu.memory_space<hbm>>
      %dma_wait3A_251 = tpu.memref_slice %arg7[%add3A_240] : memref<120000xf32, #tpu.memory_space<hbm>> -> memref<1152xf32, #tpu.memory_space<hbm>>
      %dma_wait3A_252 = arith.constant 2528 : i32
      %dma_wait3A_253 = tpu.memref_slice %arg15[%dma_wait3A_252] : memref<3792xf32, #tpu.memory_space<vmem>> -> memref<1152xf32, #tpu.memory_space<vmem>>
      tpu.wait_dma2 semaphore(%run_scoped3A : memref<!tpu.dma_semaphore, #tpu.memory_space<semaphore_mem>>) src(%dma_wait3A_253 : memref<1152xf32, #tpu.memory_space<vmem>>) dst(%dma_wait3A_251 : memref<1152xf32, #tpu.memory_space<hbm>>)
      tpu.yield
    }) : () -> ()
    %lt3A_241 = arith.constant 7 : i32
    %lt3A_242 = arith.cmpi slt, %select_n3A_30, %lt3A_241 : i32
    %convert_element_type3A = arith.extui %lt3A_242 : i1 to i32
    %cond3A = arith.constant 0 : i32
    %cond3A_243 = arith.cmpi ne, %convert_element_type3A, %cond3A : i32
    scf.if %cond3A_243 {
      %mul3A_244 = arith.constant 30000 : i32
      %mul3A_245 = arith.muli %select_n3A, %mul3A_244 : i32
      %add3A_246 = arith.constant 0 : i32
      %add3A_247 = arith.addi %mul3A_245, %add3A_246 : i32
      %add3A_248 = arith.addi %add3A_247, %mul3A_32 : i32
      %add3A_249 = arith.constant 1152 : i32
      %add3A_250 = arith.addi %add3A_248, %add3A_249 : i32
      "tpu.region"() ({
        %run_scoped3A = tpu.sem_alloc : memref<!tpu.dma_semaphore, #tpu.memory_space<semaphore_mem>>
        %dma_start3A = arith.constant 1152 : i32
        %dma_start3A_265 = tpu.memref_slice %arg15[%dma_start3A] : memref<3792xf32, #tpu.memory_space<vmem>> -> memref<112xf32, #tpu.memory_space<vmem>>
        %dma_start3A_266 = tpu.memref_slice %arg7[%add3A_250] : memref<120000xf32, #tpu.memory_space<hbm>> -> memref<112xf32, #tpu.memory_space<hbm>>
        %dma_start3A_267 = tpu.memref_slice %arg7[%add3A_250] : memref<120000xf32, #tpu.memory_space<hbm>> -> memref<112xf32, #tpu.memory_space<hbm>>
        %dma_start3A_268 = arith.constant 1152 : i32
        %dma_start3A_269 = tpu.memref_slice %arg15[%dma_start3A_268] : memref<3792xf32, #tpu.memory_space<vmem>> -> memref<112xf32, #tpu.memory_space<vmem>>
        tpu.enqueue_dma source(%dma_start3A_269 : memref<112xf32, #tpu.memory_space<vmem>>) target(%dma_start3A_267 : memref<112xf32, #tpu.memory_space<hbm>>) target_semaphore(%run_scoped3A : memref<!tpu.dma_semaphore, #tpu.memory_space<semaphore_mem>>)
        %dma_wait3A = arith.constant 1152 : i32
        %dma_wait3A_270 = tpu.memref_slice %arg15[%dma_wait3A] : memref<3792xf32, #tpu.memory_space<vmem>> -> memref<112xf32, #tpu.memory_space<vmem>>
        %dma_wait3A_271 = tpu.memref_slice %arg7[%add3A_250] : memref<120000xf32, #tpu.memory_space<hbm>> -> memref<112xf32, #tpu.memory_space<hbm>>
        %dma_wait3A_272 = tpu.memref_slice %arg7[%add3A_250] : memref<120000xf32, #tpu.memory_space<hbm>> -> memref<112xf32, #tpu.memory_space<hbm>>
        %dma_wait3A_273 = arith.constant 1152 : i32
        %dma_wait3A_274 = tpu.memref_slice %arg15[%dma_wait3A_273] : memref<3792xf32, #tpu.memory_space<vmem>> -> memref<112xf32, #tpu.memory_space<vmem>>
        tpu.wait_dma2 semaphore(%run_scoped3A : memref<!tpu.dma_semaphore, #tpu.memory_space<semaphore_mem>>) src(%dma_wait3A_274 : memref<112xf32, #tpu.memory_space<vmem>>) dst(%dma_wait3A_272 : memref<112xf32, #tpu.memory_space<hbm>>)
        tpu.yield
      }) : () -> ()
      %mul3A_251 = arith.constant 30000 : i32
      %mul3A_252 = arith.muli %select_n3A, %mul3A_251 : i32
      %add3A_253 = arith.constant 10000 : i32
      %add3A_254 = arith.addi %mul3A_252, %add3A_253 : i32
      %add3A_255 = arith.addi %add3A_254, %mul3A_32 : i32
      %add3A_256 = arith.constant 1152 : i32
      %add3A_257 = arith.addi %add3A_255, %add3A_256 : i32
      "tpu.region"() ({
        %run_scoped3A = tpu.sem_alloc : memref<!tpu.dma_semaphore, #tpu.memory_space<semaphore_mem>>
        %dma_start3A = arith.constant 2416 : i32
        %dma_start3A_265 = tpu.memref_slice %arg15[%dma_start3A] : memref<3792xf32, #tpu.memory_space<vmem>> -> memref<112xf32, #tpu.memory_space<vmem>>
        %dma_start3A_266 = tpu.memref_slice %arg7[%add3A_257] : memref<120000xf32, #tpu.memory_space<hbm>> -> memref<112xf32, #tpu.memory_space<hbm>>
        %dma_start3A_267 = tpu.memref_slice %arg7[%add3A_257] : memref<120000xf32, #tpu.memory_space<hbm>> -> memref<112xf32, #tpu.memory_space<hbm>>
        %dma_start3A_268 = arith.constant 2416 : i32
        %dma_start3A_269 = tpu.memref_slice %arg15[%dma_start3A_268] : memref<3792xf32, #tpu.memory_space<vmem>> -> memref<112xf32, #tpu.memory_space<vmem>>
        tpu.enqueue_dma source(%dma_start3A_269 : memref<112xf32, #tpu.memory_space<vmem>>) target(%dma_start3A_267 : memref<112xf32, #tpu.memory_space<hbm>>) target_semaphore(%run_scoped3A : memref<!tpu.dma_semaphore, #tpu.memory_space<semaphore_mem>>)
        %dma_wait3A = arith.constant 2416 : i32
        %dma_wait3A_270 = tpu.memref_slice %arg15[%dma_wait3A] : memref<3792xf32, #tpu.memory_space<vmem>> -> memref<112xf32, #tpu.memory_space<vmem>>
        %dma_wait3A_271 = tpu.memref_slice %arg7[%add3A_257] : memref<120000xf32, #tpu.memory_space<hbm>> -> memref<112xf32, #tpu.memory_space<hbm>>
        %dma_wait3A_272 = tpu.memref_slice %arg7[%add3A_257] : memref<120000xf32, #tpu.memory_space<hbm>> -> memref<112xf32, #tpu.memory_space<hbm>>
        %dma_wait3A_273 = arith.constant 2416 : i32
        %dma_wait3A_274 = tpu.memref_slice %arg15[%dma_wait3A_273] : memref<3792xf32, #tpu.memory_space<vmem>> -> memref<112xf32, #tpu.memory_space<vmem>>
        tpu.wait_dma2 semaphore(%run_scoped3A : memref<!tpu.dma_semaphore, #tpu.memory_space<semaphore_mem>>) src(%dma_wait3A_274 : memref<112xf32, #tpu.memory_space<vmem>>) dst(%dma_wait3A_272 : memref<112xf32, #tpu.memory_space<hbm>>)
        tpu.yield
      }) : () -> ()
      %mul3A_258 = arith.constant 30000 : i32
      %mul3A_259 = arith.muli %select_n3A, %mul3A_258 : i32
      %add3A_260 = arith.constant 20000 : i32
      %add3A_261 = arith.addi %mul3A_259, %add3A_260 : i32
      %add3A_262 = arith.addi %add3A_261, %mul3A_32 : i32
      %add3A_263 = arith.constant 1152 : i32
      %add3A_264 = arith.addi %add3A_262, %add3A_263 : i32
      "tpu.region"() ({
        %run_scoped3A = tpu.sem_alloc : memref<!tpu.dma_semaphore, #tpu.memory_space<semaphore_mem>>
        %dma_start3A = arith.constant 3680 : i32
        %dma_start3A_265 = tpu.memref_slice %arg15[%dma_start3A] : memref<3792xf32, #tpu.memory_space<vmem>> -> memref<112xf32, #tpu.memory_space<vmem>>
        %dma_start3A_266 = tpu.memref_slice %arg7[%add3A_264] : memref<120000xf32, #tpu.memory_space<hbm>> -> memref<112xf32, #tpu.memory_space<hbm>>
        %dma_start3A_267 = tpu.memref_slice %arg7[%add3A_264] : memref<120000xf32, #tpu.memory_space<hbm>> -> memref<112xf32, #tpu.memory_space<hbm>>
        %dma_start3A_268 = arith.constant 3680 : i32
        %dma_start3A_269 = tpu.memref_slice %arg15[%dma_start3A_268] : memref<3792xf32, #tpu.memory_space<vmem>> -> memref<112xf32, #tpu.memory_space<vmem>>
        tpu.enqueue_dma source(%dma_start3A_269 : memref<112xf32, #tpu.memory_space<vmem>>) target(%dma_start3A_267 : memref<112xf32, #tpu.memory_space<hbm>>) target_semaphore(%run_scoped3A : memref<!tpu.dma_semaphore, #tpu.memory_space<semaphore_mem>>)
        %dma_wait3A = arith.constant 3680 : i32
        %dma_wait3A_270 = tpu.memref_slice %arg15[%dma_wait3A] : memref<3792xf32, #tpu.memory_space<vmem>> -> memref<112xf32, #tpu.memory_space<vmem>>
        %dma_wait3A_271 = tpu.memref_slice %arg7[%add3A_264] : memref<120000xf32, #tpu.memory_space<hbm>> -> memref<112xf32, #tpu.memory_space<hbm>>
        %dma_wait3A_272 = tpu.memref_slice %arg7[%add3A_264] : memref<120000xf32, #tpu.memory_space<hbm>> -> memref<112xf32, #tpu.memory_space<hbm>>
        %dma_wait3A_273 = arith.constant 3680 : i32
        %dma_wait3A_274 = tpu.memref_slice %arg15[%dma_wait3A_273] : memref<3792xf32, #tpu.memory_space<vmem>> -> memref<112xf32, #tpu.memory_space<vmem>>
        tpu.wait_dma2 semaphore(%run_scoped3A : memref<!tpu.dma_semaphore, #tpu.memory_space<semaphore_mem>>) src(%dma_wait3A_274 : memref<112xf32, #tpu.memory_space<vmem>>) dst(%dma_wait3A_272 : memref<112xf32, #tpu.memory_space<hbm>>)
        tpu.yield
      }) : () -> ()
    } else {
    }
    return
  }
}

#map = affine_map<(d0, d1) -> (0)>
module attributes {stable_mosaic.version = 14 : i64} {
  func.func @_compact(%arg0: i32, %arg1: i32, %arg2: memref<327680xi32, #tpu.memory_space<hbm>>, %arg3: memref<81920xi32, #tpu.memory_space<hbm>>, %arg4: memref<1310720xi32, #tpu.memory_space<hbm>>, %arg5: memref<1024xi32, #tpu.memory_space<hbm>>, %arg6: memref<40960xi32, #tpu.memory_space<vmem>>, %arg7: memref<20480xi32, #tpu.memory_space<vmem>>, %arg8: memref<40992xi32, #tpu.memory_space<vmem>>, %arg9: memref<16xi32, #tpu.memory_space<vmem>>) attributes {dimension_semantics = [#tpu.dimension_semantics<core_parallel>, #tpu.dimension_semantics<subcore_parallel>], iteration_bounds = array<i64: 2, 16>, scalar_prefetch = 0 : i64, scratch_operands = 4 : i64, tpu.core_type = #tpu.core_type<sc_vector_subcore>, window_params = [{transform_indices = #map}, {transform_indices = #map}, {transform_indices = #map}, {transform_indices = #map}]} {
    %mul3A = arith.constant 16 : i32
    %mul3A_0 = arith.muli %arg0, %mul3A : i32
    %add3A = arith.addi %mul3A_0, %arg1 : i32
    %jit3A = arith.constant 8 : i32
    %div3A = arith.divsi %add3A, %jit3A : i32
    %sign3A = arith.constant 0 : i32
    %sign3A_1 = arith.cmpi sgt, %add3A, %sign3A : i32
    %sign3A_2 = arith.extui %sign3A_1 : i1 to i32
    %sign3A_3 = arith.constant 0 : i32
    %sign3A_4 = arith.cmpi slt, %add3A, %sign3A_3 : i32
    %sign3A_5 = arith.extui %sign3A_4 : i1 to i32
    %sign3A_6 = arith.subi %sign3A_2, %sign3A_5 : i32
    %sign3A_7 = arith.constant 0 : i32
    %sign3A_8 = arith.cmpi sgt, %jit3A, %sign3A_7 : i32
    %sign3A_9 = arith.extui %sign3A_8 : i1 to i32
    %sign3A_10 = arith.constant 0 : i32
    %sign3A_11 = arith.cmpi slt, %jit3A, %sign3A_10 : i32
    %sign3A_12 = arith.extui %sign3A_11 : i1 to i32
    %sign3A_13 = arith.subi %sign3A_9, %sign3A_12 : i32
    %ne3A = arith.cmpi ne, %sign3A_6, %sign3A_13 : i32
    %rem3A = arith.remsi %add3A, %jit3A : i32
    %ne3A_14 = arith.constant 0 : i32
    %ne3A_15 = arith.cmpi ne, %rem3A, %ne3A_14 : i32
    %and3A = arith.andi %ne3A, %ne3A_15 : i1
    %sub3A = arith.constant 1 : i32
    %sub3A_16 = arith.subi %div3A, %sub3A : i32
    %select_n3A = arith.select %and3A, %sub3A_16, %div3A : i32
    %jit3A_17 = arith.constant 8 : i32
    %eq3A = arith.constant 0 : i32
    %eq3A_18 = arith.cmpi eq, %jit3A_17, %eq3A : i32
    %jit3A_19 = arith.constant 1 : i32
    %select_n3A_20 = arith.select %eq3A_18, %jit3A_19, %jit3A_17 : i32
    %rem3A_21 = arith.remsi %add3A, %select_n3A_20 : i32
    %ne3A_22 = arith.constant 0 : i32
    %ne3A_23 = arith.cmpi ne, %rem3A_21, %ne3A_22 : i32
    %lt3A = arith.constant 0 : i32
    %lt3A_24 = arith.cmpi slt, %rem3A_21, %lt3A : i32
    %lt3A_25 = arith.constant 0 : i32
    %lt3A_26 = arith.cmpi slt, %select_n3A_20, %lt3A_25 : i32
    %ne3A_27 = arith.xori %lt3A_24, %lt3A_26 : i1
    %and3A_28 = arith.andi %ne3A_27, %ne3A_23 : i1
    %add3A_29 = arith.addi %rem3A_21, %select_n3A_20 : i32
    %select_n3A_30 = arith.select %and3A_28, %add3A_29, %rem3A_21 : i32
    %mul3A_31 = arith.constant 40960 : i32
    %mul3A_32 = arith.muli %select_n3A_30, %mul3A_31 : i32
    "tpu.region"() ({
      %run_scoped3A = tpu.sem_alloc : memref<!tpu.dma_semaphore, #tpu.memory_space<semaphore_mem>>
      %dma_start3A = tpu.memref_slice %arg2[%mul3A_32] : memref<327680xi32, #tpu.memory_space<hbm>> -> memref<40960xi32, #tpu.memory_space<hbm>>
      %dma_start3A_62 = tpu.memref_slice %arg2[%mul3A_32] : memref<327680xi32, #tpu.memory_space<hbm>> -> memref<40960xi32, #tpu.memory_space<hbm>>
      tpu.enqueue_dma source(%dma_start3A_62 : memref<40960xi32, #tpu.memory_space<hbm>>) target(%arg6 : memref<40960xi32, #tpu.memory_space<vmem>>) target_semaphore(%run_scoped3A : memref<!tpu.dma_semaphore, #tpu.memory_space<semaphore_mem>>)
      %dma_wait3A = tpu.memref_slice %arg2[%mul3A_32] : memref<327680xi32, #tpu.memory_space<hbm>> -> memref<40960xi32, #tpu.memory_space<hbm>>
      %dma_wait3A_63 = tpu.memref_slice %arg2[%mul3A_32] : memref<327680xi32, #tpu.memory_space<hbm>> -> memref<40960xi32, #tpu.memory_space<hbm>>
      tpu.wait_dma2 semaphore(%run_scoped3A : memref<!tpu.dma_semaphore, #tpu.memory_space<semaphore_mem>>) src(%dma_wait3A_63 : memref<40960xi32, #tpu.memory_space<hbm>>) dst(%arg6 : memref<40960xi32, #tpu.memory_space<vmem>>)
      tpu.yield
    }) : () -> ()
    %mul3A_33 = arith.constant 20480 : i32
    %mul3A_34 = arith.muli %select_n3A, %mul3A_33 : i32
    "tpu.region"() ({
      %run_scoped3A = tpu.sem_alloc : memref<!tpu.dma_semaphore, #tpu.memory_space<semaphore_mem>>
      %dma_start3A = tpu.memref_slice %arg3[%mul3A_34] : memref<81920xi32, #tpu.memory_space<hbm>> -> memref<20480xi32, #tpu.memory_space<hbm>>
      %dma_start3A_62 = tpu.memref_slice %arg3[%mul3A_34] : memref<81920xi32, #tpu.memory_space<hbm>> -> memref<20480xi32, #tpu.memory_space<hbm>>
      tpu.enqueue_dma source(%dma_start3A_62 : memref<20480xi32, #tpu.memory_space<hbm>>) target(%arg7 : memref<20480xi32, #tpu.memory_space<vmem>>) target_semaphore(%run_scoped3A : memref<!tpu.dma_semaphore, #tpu.memory_space<semaphore_mem>>)
      %dma_wait3A = tpu.memref_slice %arg3[%mul3A_34] : memref<81920xi32, #tpu.memory_space<hbm>> -> memref<20480xi32, #tpu.memory_space<hbm>>
      %dma_wait3A_63 = tpu.memref_slice %arg3[%mul3A_34] : memref<81920xi32, #tpu.memory_space<hbm>> -> memref<20480xi32, #tpu.memory_space<hbm>>
      tpu.wait_dma2 semaphore(%run_scoped3A : memref<!tpu.dma_semaphore, #tpu.memory_space<semaphore_mem>>) src(%dma_wait3A_63 : memref<20480xi32, #tpu.memory_space<hbm>>) dst(%arg7 : memref<20480xi32, #tpu.memory_space<vmem>>)
      tpu.yield
    }) : () -> ()
    %scan3A = arith.constant 0 : i32
    %scan3A_35 = arith.constant 0 : i32
    %scan3A_36 = arith.constant 0 : i32
    %scan3A_37 = arith.constant 640 : i32
    %scan3A_38 = arith.addi %scan3A_36, %scan3A_37 : i32
    %scan3A_39 = arith.constant 1 : i32
    %scan3A_40:2 = scf.for %scan3A_62 = %scan3A_36 to %scan3A_38 step %scan3A_39 iter_args(%scan3A_63 = %scan3A, %scan3A_64 = %scan3A_35) -> (i32, i32)  : i32 {
      %mul3A_65 = arith.constant 32 : i32
      %mul3A_66 = arith.muli %scan3A_62, %mul3A_65 : i32
      %add3A_67 = arith.constant 0 : i32
      %add3A_68 = arith.addi %mul3A_66, %add3A_67 : i32
      %get3A = arith.index_cast %add3A_68 : i32 to index
      %get3A_69 = tpu.vector_load %arg6[%get3A] {strides = array<i32>} : memref<40960xi32, #tpu.memory_space<vmem>>, vector<16xi32>,
      %mul3A_70 = arith.constant 32 : i32
      %mul3A_71 = arith.muli %scan3A_62, %mul3A_70 : i32
      %add3A_72 = arith.constant 20480 : i32
      %add3A_73 = arith.addi %add3A_72, %mul3A_71 : i32
      %add3A_74 = arith.constant 0 : i32
      %add3A_75 = arith.addi %add3A_73, %add3A_74 : i32
      %get3A_76 = arith.index_cast %add3A_75 : i32 to index
      %get3A_77 = tpu.vector_load %arg6[%get3A_76] {strides = array<i32>} : memref<40960xi32, #tpu.memory_space<vmem>>, vector<16xi32>,
      %shift_right_logical3A = arith.constant 4 : i32
      %shift_right_logical3A_78 = vector.broadcast %shift_right_logical3A : i32 to vector<16xi32>
      %shift_right_logical3A_79 = arith.shrui %get3A_69, %shift_right_logical3A_78 : vector<16xi32>
      %gather3A = tpu.vector_load_idx %arg7[%shift_right_logical3A_79] : memref<20480xi32, #tpu.memory_space<vmem>>[vector<16xi32>], vector<16xi32>,
      %shift_right_logical3A_80 = arith.constant 4 : i32
      %shift_right_logical3A_81 = vector.broadcast %shift_right_logical3A_80 : i32 to vector<16xi32>
      %shift_right_logical3A_82 = arith.shrui %get3A_77, %shift_right_logical3A_81 : vector<16xi32>
      %gather3A_83 = tpu.vector_load_idx %arg7[%shift_right_logical3A_82] : memref<20480xi32, #tpu.memory_space<vmem>>[vector<16xi32>], vector<16xi32>,
      %and3A_84 = arith.constant 15 : i32
      %and3A_85 = vector.broadcast %and3A_84 : i32 to vector<16xi32>
      %and3A_86 = arith.andi %get3A_69, %and3A_85 : vector<16xi32>
      %shift_right_logical3A_87 = arith.shrui %gather3A, %and3A_86 : vector<16xi32>
      %and3A_88 = arith.constant 1 : i32
      %and3A_89 = vector.broadcast %and3A_88 : i32 to vector<16xi32>
      %and3A_90 = arith.andi %shift_right_logical3A_87, %and3A_89 : vector<16xi32>
      %gt3A = arith.constant 0 : i32
      %gt3A_91 = vector.broadcast %gt3A : i32 to vector<16xi32>
      %gt3A_92 = arith.cmpi sgt, %and3A_90, %gt3A_91 : vector<16xi32>
      %and3A_93 = arith.constant 15 : i32
      %and3A_94 = vector.broadcast %and3A_93 : i32 to vector<16xi32>
      %and3A_95 = arith.andi %get3A_77, %and3A_94 : vector<16xi32>
      %shift_right_logical3A_96 = arith.shrui %gather3A_83, %and3A_95 : vector<16xi32>
      %and3A_97 = arith.constant 1 : i32
      %and3A_98 = vector.broadcast %and3A_97 : i32 to vector<16xi32>
      %and3A_99 = arith.andi %shift_right_logical3A_96, %and3A_98 : vector<16xi32>
      %gt3A_100 = arith.constant 0 : i32
      %gt3A_101 = vector.broadcast %gt3A_100 : i32 to vector<16xi32>
      %gt3A_102 = arith.cmpi sgt, %and3A_99, %gt3A_101 : vector<16xi32>
      %swap3A_103 = arith.index_cast %scan3A_63 : i32 to index
      %swap3A_104 = tpu.vector_load %arg8[%swap3A_103] masked %gt3A_92 {strides = array<i32>} : memref<40992xi32, #tpu.memory_space<vmem>>, vector<16xi32>, vector<16xi1>
      tpu.vector_store %arg8[%swap3A_103], %get3A_69 masked %gt3A_92 {strides = array<i32>} : memref<40992xi32, #tpu.memory_space<vmem>>, vector<16xi32>, vector<16xi1>
      %add3A_105 = arith.constant 20496 : i32
      %add3A_106 = arith.addi %add3A_105, %scan3A_64 : i32
      %swap3A_107 = arith.index_cast %add3A_106 : i32 to index
      %swap3A_108 = tpu.vector_load %arg8[%swap3A_107] masked %gt3A_102 {strides = array<i32>} : memref<40992xi32, #tpu.memory_space<vmem>>, vector<16xi32>, vector<16xi1>
      tpu.vector_store %arg8[%swap3A_107], %get3A_77 masked %gt3A_102 {strides = array<i32>} : memref<40992xi32, #tpu.memory_space<vmem>>, vector<16xi32>, vector<16xi1>
      %all_reduce_population_count3A = tpu.all_reduce %gt3A_92 {dim = 0 : i64, kind = #tpu.reduction_kind<sum>} : vector<16xi1> -> vector<16xi32>
      %slice3A = vector.extract_strided_slice %all_reduce_population_count3A {offsets = [0], sizes = [1], strides = [1]} : vector<16xi32> to vector<1xi32>
      %squeeze3A = vector.extract %slice3A[0] : i32 from vector<1xi32>
      %add3A_109 = arith.addi %scan3A_63, %squeeze3A : i32
      %all_reduce_population_count3A_110 = tpu.all_reduce %gt3A_102 {dim = 0 : i64, kind = #tpu.reduction_kind<sum>} : vector<16xi1> -> vector<16xi32>
      %slice3A_111 = vector.extract_strided_slice %all_reduce_population_count3A_110 {offsets = [0], sizes = [1], strides = [1]} : vector<16xi32> to vector<1xi32>
      %squeeze3A_112 = vector.extract %slice3A_111[0] : i32 from vector<1xi32>
      %add3A_113 = arith.addi %scan3A_64, %squeeze3A_112 : i32
      %mul3A_114 = arith.constant 32 : i32
      %mul3A_115 = arith.muli %scan3A_62, %mul3A_114 : i32
      %add3A_116 = arith.constant 16 : i32
      %add3A_117 = arith.addi %mul3A_115, %add3A_116 : i32
      %get3A_118 = arith.index_cast %add3A_117 : i32 to index
      %get3A_119 = tpu.vector_load %arg6[%get3A_118] {strides = array<i32>} : memref<40960xi32, #tpu.memory_space<vmem>>, vector<16xi32>,
      %mul3A_120 = arith.constant 32 : i32
      %mul3A_121 = arith.muli %scan3A_62, %mul3A_120 : i32
      %add3A_122 = arith.constant 20480 : i32
      %add3A_123 = arith.addi %add3A_122, %mul3A_121 : i32
      %add3A_124 = arith.constant 16 : i32
      %add3A_125 = arith.addi %add3A_123, %add3A_124 : i32
      %get3A_126 = arith.index_cast %add3A_125 : i32 to index
      %get3A_127 = tpu.vector_load %arg6[%get3A_126] {strides = array<i32>} : memref<40960xi32, #tpu.memory_space<vmem>>, vector<16xi32>,
      %shift_right_logical3A_128 = arith.constant 4 : i32
      %shift_right_logical3A_129 = vector.broadcast %shift_right_logical3A_128 : i32 to vector<16xi32>
      %shift_right_logical3A_130 = arith.shrui %get3A_119, %shift_right_logical3A_129 : vector<16xi32>
      %gather3A_131 = tpu.vector_load_idx %arg7[%shift_right_logical3A_130] : memref<20480xi32, #tpu.memory_space<vmem>>[vector<16xi32>], vector<16xi32>,
      %shift_right_logical3A_132 = arith.constant 4 : i32
      %shift_right_logical3A_133 = vector.broadcast %shift_right_logical3A_132 : i32 to vector<16xi32>
      %shift_right_logical3A_134 = arith.shrui %get3A_127, %shift_right_logical3A_133 : vector<16xi32>
      %gather3A_135 = tpu.vector_load_idx %arg7[%shift_right_logical3A_134] : memref<20480xi32, #tpu.memory_space<vmem>>[vector<16xi32>], vector<16xi32>,
      %and3A_136 = arith.constant 15 : i32
      %and3A_137 = vector.broadcast %and3A_136 : i32 to vector<16xi32>
      %and3A_138 = arith.andi %get3A_119, %and3A_137 : vector<16xi32>
      %shift_right_logical3A_139 = arith.shrui %gather3A_131, %and3A_138 : vector<16xi32>
      %and3A_140 = arith.constant 1 : i32
      %and3A_141 = vector.broadcast %and3A_140 : i32 to vector<16xi32>
      %and3A_142 = arith.andi %shift_right_logical3A_139, %and3A_141 : vector<16xi32>
      %gt3A_143 = arith.constant 0 : i32
      %gt3A_144 = vector.broadcast %gt3A_143 : i32 to vector<16xi32>
      %gt3A_145 = arith.cmpi sgt, %and3A_142, %gt3A_144 : vector<16xi32>
      %and3A_146 = arith.constant 15 : i32
      %and3A_147 = vector.broadcast %and3A_146 : i32 to vector<16xi32>
      %and3A_148 = arith.andi %get3A_127, %and3A_147 : vector<16xi32>
      %shift_right_logical3A_149 = arith.shrui %gather3A_135, %and3A_148 : vector<16xi32>
      %and3A_150 = arith.constant 1 : i32
      %and3A_151 = vector.broadcast %and3A_150 : i32 to vector<16xi32>
      %and3A_152 = arith.andi %shift_right_logical3A_149, %and3A_151 : vector<16xi32>
      %gt3A_153 = arith.constant 0 : i32
      %gt3A_154 = vector.broadcast %gt3A_153 : i32 to vector<16xi32>
      %gt3A_155 = arith.cmpi sgt, %and3A_152, %gt3A_154 : vector<16xi32>
      %swap3A_156 = arith.index_cast %add3A_109 : i32 to index
      %swap3A_157 = tpu.vector_load %arg8[%swap3A_156] masked %gt3A_145 {strides = array<i32>} : memref<40992xi32, #tpu.memory_space<vmem>>, vector<16xi32>, vector<16xi1>
      tpu.vector_store %arg8[%swap3A_156], %get3A_119 masked %gt3A_145 {strides = array<i32>} : memref<40992xi32, #tpu.memory_space<vmem>>, vector<16xi32>, vector<16xi1>
      %add3A_158 = arith.constant 20496 : i32
      %add3A_159 = arith.addi %add3A_158, %add3A_113 : i32
      %swap3A_160 = arith.index_cast %add3A_159 : i32 to index
      %swap3A_161 = tpu.vector_load %arg8[%swap3A_160] masked %gt3A_155 {strides = array<i32>} : memref<40992xi32, #tpu.memory_space<vmem>>, vector<16xi32>, vector<16xi1>
      tpu.vector_store %arg8[%swap3A_160], %get3A_127 masked %gt3A_155 {strides = array<i32>} : memref<40992xi32, #tpu.memory_space<vmem>>, vector<16xi32>, vector<16xi1>
      %all_reduce_population_count3A_162 = tpu.all_reduce %gt3A_145 {dim = 0 : i64, kind = #tpu.reduction_kind<sum>} : vector<16xi1> -> vector<16xi32>
      %slice3A_163 = vector.extract_strided_slice %all_reduce_population_count3A_162 {offsets = [0], sizes = [1], strides = [1]} : vector<16xi32> to vector<1xi32>
      %squeeze3A_164 = vector.extract %slice3A_163[0] : i32 from vector<1xi32>
      %add3A_165 = arith.addi %add3A_109, %squeeze3A_164 : i32
      %all_reduce_population_count3A_166 = tpu.all_reduce %gt3A_155 {dim = 0 : i64, kind = #tpu.reduction_kind<sum>} : vector<16xi1> -> vector<16xi32>
      %slice3A_167 = vector.extract_strided_slice %all_reduce_population_count3A_166 {offsets = [0], sizes = [1], strides = [1]} : vector<16xi32> to vector<1xi32>
      %squeeze3A_168 = vector.extract %slice3A_167[0] : i32 from vector<1xi32>
      %add3A_169 = arith.addi %add3A_113, %squeeze3A_168 : i32
      scf.yield %add3A_165, %add3A_169 : i32, i32
    }
    %scan3A_41 = arith.constant 640 : i32
    %broadcast_in_dim3A = vector.broadcast %scan3A_40#0 : i32 to vector<16xi32>
    %swap3A = arith.constant 0 : index
    %swap3A_42 = tpu.vector_load %arg9[%swap3A] {strides = array<i32>} : memref<16xi32, #tpu.memory_space<vmem>>, vector<16xi32>,
    tpu.vector_store %arg9[%swap3A], %broadcast_in_dim3A {strides = array<i32>} : memref<16xi32, #tpu.memory_space<vmem>>, vector<16xi32>,
    %mul3A_43 = arith.constant 32 : i32
    %mul3A_44 = arith.muli %add3A, %mul3A_43 : i32
    "tpu.region"() ({
      %run_scoped3A = tpu.sem_alloc : memref<!tpu.dma_semaphore, #tpu.memory_space<semaphore_mem>>
      %dma_start3A = tpu.memref_slice %arg5[%mul3A_44] : memref<1024xi32, #tpu.memory_space<hbm>> -> memref<16xi32, #tpu.memory_space<hbm>>
      %dma_start3A_62 = tpu.memref_slice %arg5[%mul3A_44] : memref<1024xi32, #tpu.memory_space<hbm>> -> memref<16xi32, #tpu.memory_space<hbm>>
      tpu.enqueue_dma source(%arg9 : memref<16xi32, #tpu.memory_space<vmem>>) target(%dma_start3A_62 : memref<16xi32, #tpu.memory_space<hbm>>) target_semaphore(%run_scoped3A : memref<!tpu.dma_semaphore, #tpu.memory_space<semaphore_mem>>)
      %dma_wait3A = tpu.memref_slice %arg5[%mul3A_44] : memref<1024xi32, #tpu.memory_space<hbm>> -> memref<16xi32, #tpu.memory_space<hbm>>
      %dma_wait3A_63 = tpu.memref_slice %arg5[%mul3A_44] : memref<1024xi32, #tpu.memory_space<hbm>> -> memref<16xi32, #tpu.memory_space<hbm>>
      tpu.wait_dma2 semaphore(%run_scoped3A : memref<!tpu.dma_semaphore, #tpu.memory_space<semaphore_mem>>) src(%arg9 : memref<16xi32, #tpu.memory_space<vmem>>) dst(%dma_wait3A_63 : memref<16xi32, #tpu.memory_space<hbm>>)
      tpu.yield
    }) : () -> ()
    %broadcast_in_dim3A_45 = vector.broadcast %scan3A_40#1 : i32 to vector<16xi32>
    %swap3A_46 = arith.constant 0 : index
    %swap3A_47 = tpu.vector_load %arg9[%swap3A_46] {strides = array<i32>} : memref<16xi32, #tpu.memory_space<vmem>>, vector<16xi32>,
    tpu.vector_store %arg9[%swap3A_46], %broadcast_in_dim3A_45 {strides = array<i32>} : memref<16xi32, #tpu.memory_space<vmem>>, vector<16xi32>,
    %mul3A_48 = arith.constant 32 : i32
    %mul3A_49 = arith.muli %add3A, %mul3A_48 : i32
    %add3A_50 = arith.constant 16 : i32
    %add3A_51 = arith.addi %mul3A_49, %add3A_50 : i32
    "tpu.region"() ({
      %run_scoped3A = tpu.sem_alloc : memref<!tpu.dma_semaphore, #tpu.memory_space<semaphore_mem>>
      %dma_start3A = tpu.memref_slice %arg5[%add3A_51] : memref<1024xi32, #tpu.memory_space<hbm>> -> memref<16xi32, #tpu.memory_space<hbm>>
      %dma_start3A_62 = tpu.memref_slice %arg5[%add3A_51] : memref<1024xi32, #tpu.memory_space<hbm>> -> memref<16xi32, #tpu.memory_space<hbm>>
      tpu.enqueue_dma source(%arg9 : memref<16xi32, #tpu.memory_space<vmem>>) target(%dma_start3A_62 : memref<16xi32, #tpu.memory_space<hbm>>) target_semaphore(%run_scoped3A : memref<!tpu.dma_semaphore, #tpu.memory_space<semaphore_mem>>)
      %dma_wait3A = tpu.memref_slice %arg5[%add3A_51] : memref<1024xi32, #tpu.memory_space<hbm>> -> memref<16xi32, #tpu.memory_space<hbm>>
      %dma_wait3A_63 = tpu.memref_slice %arg5[%add3A_51] : memref<1024xi32, #tpu.memory_space<hbm>> -> memref<16xi32, #tpu.memory_space<hbm>>
      tpu.wait_dma2 semaphore(%run_scoped3A : memref<!tpu.dma_semaphore, #tpu.memory_space<semaphore_mem>>) src(%arg9 : memref<16xi32, #tpu.memory_space<vmem>>) dst(%dma_wait3A_63 : memref<16xi32, #tpu.memory_space<hbm>>)
      tpu.yield
    }) : () -> ()
    %mul3A_52 = arith.constant 2 : i32
    %mul3A_53 = arith.muli %add3A, %mul3A_52 : i32
    %mul3A_54 = arith.constant 20480 : i32
    %mul3A_55 = arith.muli %mul3A_53, %mul3A_54 : i32
    "tpu.region"() ({
      %run_scoped3A = tpu.sem_alloc : memref<!tpu.dma_semaphore, #tpu.memory_space<semaphore_mem>>
      %dma_start3A = arith.constant 0 : i32
      %dma_start3A_62 = tpu.memref_slice %arg8[%dma_start3A] : memref<40992xi32, #tpu.memory_space<vmem>> -> memref<20480xi32, #tpu.memory_space<vmem>>
      %dma_start3A_63 = tpu.memref_slice %arg4[%mul3A_55] : memref<1310720xi32, #tpu.memory_space<hbm>> -> memref<20480xi32, #tpu.memory_space<hbm>>
      %dma_start3A_64 = tpu.memref_slice %arg4[%mul3A_55] : memref<1310720xi32, #tpu.memory_space<hbm>> -> memref<20480xi32, #tpu.memory_space<hbm>>
      %dma_start3A_65 = arith.constant 0 : i32
      %dma_start3A_66 = tpu.memref_slice %arg8[%dma_start3A_65] : memref<40992xi32, #tpu.memory_space<vmem>> -> memref<20480xi32, #tpu.memory_space<vmem>>
      tpu.enqueue_dma source(%dma_start3A_66 : memref<20480xi32, #tpu.memory_space<vmem>>) target(%dma_start3A_64 : memref<20480xi32, #tpu.memory_space<hbm>>) target_semaphore(%run_scoped3A : memref<!tpu.dma_semaphore, #tpu.memory_space<semaphore_mem>>)
      %dma_wait3A = arith.constant 0 : i32
      %dma_wait3A_67 = tpu.memref_slice %arg8[%dma_wait3A] : memref<40992xi32, #tpu.memory_space<vmem>> -> memref<20480xi32, #tpu.memory_space<vmem>>
      %dma_wait3A_68 = tpu.memref_slice %arg4[%mul3A_55] : memref<1310720xi32, #tpu.memory_space<hbm>> -> memref<20480xi32, #tpu.memory_space<hbm>>
      %dma_wait3A_69 = tpu.memref_slice %arg4[%mul3A_55] : memref<1310720xi32, #tpu.memory_space<hbm>> -> memref<20480xi32, #tpu.memory_space<hbm>>
      %dma_wait3A_70 = arith.constant 0 : i32
      %dma_wait3A_71 = tpu.memref_slice %arg8[%dma_wait3A_70] : memref<40992xi32, #tpu.memory_space<vmem>> -> memref<20480xi32, #tpu.memory_space<vmem>>
      tpu.wait_dma2 semaphore(%run_scoped3A : memref<!tpu.dma_semaphore, #tpu.memory_space<semaphore_mem>>) src(%dma_wait3A_71 : memref<20480xi32, #tpu.memory_space<vmem>>) dst(%dma_wait3A_69 : memref<20480xi32, #tpu.memory_space<hbm>>)
      tpu.yield
    }) : () -> ()
    %mul3A_56 = arith.constant 2 : i32
    %mul3A_57 = arith.muli %add3A, %mul3A_56 : i32
    %add3A_58 = arith.constant 1 : i32
    %add3A_59 = arith.addi %mul3A_57, %add3A_58 : i32
    %mul3A_60 = arith.constant 20480 : i32
    %mul3A_61 = arith.muli %add3A_59, %mul3A_60 : i32
    "tpu.region"() ({
      %run_scoped3A = tpu.sem_alloc : memref<!tpu.dma_semaphore, #tpu.memory_space<semaphore_mem>>
      %dma_start3A = arith.constant 20496 : i32
      %dma_start3A_62 = tpu.memref_slice %arg8[%dma_start3A] : memref<40992xi32, #tpu.memory_space<vmem>> -> memref<20480xi32, #tpu.memory_space<vmem>>
      %dma_start3A_63 = tpu.memref_slice %arg4[%mul3A_61] : memref<1310720xi32, #tpu.memory_space<hbm>> -> memref<20480xi32, #tpu.memory_space<hbm>>
      %dma_start3A_64 = tpu.memref_slice %arg4[%mul3A_61] : memref<1310720xi32, #tpu.memory_space<hbm>> -> memref<20480xi32, #tpu.memory_space<hbm>>
      %dma_start3A_65 = arith.constant 20496 : i32
      %dma_start3A_66 = tpu.memref_slice %arg8[%dma_start3A_65] : memref<40992xi32, #tpu.memory_space<vmem>> -> memref<20480xi32, #tpu.memory_space<vmem>>
      tpu.enqueue_dma source(%dma_start3A_66 : memref<20480xi32, #tpu.memory_space<vmem>>) target(%dma_start3A_64 : memref<20480xi32, #tpu.memory_space<hbm>>) target_semaphore(%run_scoped3A : memref<!tpu.dma_semaphore, #tpu.memory_space<semaphore_mem>>)
      %dma_wait3A = arith.constant 20496 : i32
      %dma_wait3A_67 = tpu.memref_slice %arg8[%dma_wait3A] : memref<40992xi32, #tpu.memory_space<vmem>> -> memref<20480xi32, #tpu.memory_space<vmem>>
      %dma_wait3A_68 = tpu.memref_slice %arg4[%mul3A_61] : memref<1310720xi32, #tpu.memory_space<hbm>> -> memref<20480xi32, #tpu.memory_space<hbm>>
      %dma_wait3A_69 = tpu.memref_slice %arg4[%mul3A_61] : memref<1310720xi32, #tpu.memory_space<hbm>> -> memref<20480xi32, #tpu.memory_space<hbm>>
      %dma_wait3A_70 = arith.constant 20496 : i32
      %dma_wait3A_71 = tpu.memref_slice %arg8[%dma_wait3A_70] : memref<40992xi32, #tpu.memory_space<vmem>> -> memref<20480xi32, #tpu.memory_space<vmem>>
      tpu.wait_dma2 semaphore(%run_scoped3A : memref<!tpu.dma_semaphore, #tpu.memory_space<semaphore_mem>>) src(%dma_wait3A_71 : memref<20480xi32, #tpu.memory_space<vmem>>) dst(%dma_wait3A_69 : memref<20480xi32, #tpu.memory_space<hbm>>)
      tpu.yield
    }) : () -> ()
    return
  }
}

module attributes {stable_mosaic.version = 14 : i64} {
  func.func @_maskpack_body(%arg0: i32, %arg1: memref<64x1024xi32, #tpu.memory_space<vmem>>, %arg2: memref<64x1024xf32, #tpu.memory_space<vmem>>, %arg3: memref<1024x64xf32, #tpu.memory_space<vmem>>, %arg4: memref<64x64xi32, #tpu.memory_space<vmem>>) attributes {dimension_semantics = [#tpu.dimension_semantics<arbitrary>], iteration_bounds = array<i64: 20>, scalar_prefetch = 0 : i64, scratch_operands = 0 : i64, tpu.core_type = #tpu.core_type<tc>, window_params = [{transform_indices = @transform_0, window_bounds = array<i64: 64, 1024>}, {transform_indices = @transform_1, window_bounds = array<i64: 64, 1024>}, {pipeline_mode = #tpu.pipeline_mode<synchronous>, transform_indices = @transform_2, window_bounds = array<i64: 1024, 64>}, {transform_indices = @transform_3, window_bounds = array<i64: 64, 64>}]} {
    %get3A = arith.constant 0 : index
    %get3A_0 = arith.constant 0 : index
    %get3A_1 = vector.load %arg1[%get3A, %get3A_0] : memref<64x1024xi32, #tpu.memory_space<vmem>>, vector<64x1024xi32>
    %eq3A = arith.constant 5 : i32
    %eq3A_2 = vector.broadcast %eq3A : i32 to vector<64x1024xi32>
    %eq3A_3 = arith.cmpi eq, %get3A_1, %eq3A_2 : vector<64x1024xi32>
    %get3A_4 = arith.constant 0 : index
    %get3A_5 = arith.constant 0 : index
    %get3A_6 = vector.load %arg2[%get3A_4, %get3A_5] : memref<64x1024xf32, #tpu.memory_space<vmem>>, vector<64x1024xf32>
    %lt3A = arith.constant 4.000000e+01 : f32
    %lt3A_7 = vector.broadcast %lt3A : f32 to vector<64x1024xf32>
    %lt3A_8 = arith.cmpf olt, %get3A_6, %lt3A_7 : vector<64x1024xf32>
    %and3A = arith.andi %eq3A_3, %lt3A_8 : vector<64x1024xi1>
    %convert_element_type3A = arith.extui %and3A : vector<64x1024xi1> to vector<64x1024xi32>
    %convert_element_type3A_9 = arith.sitofp %convert_element_type3A : vector<64x1024xi32> to vector<64x1024xf32>
    %get3A_10 = arith.constant 0 : index
    %get3A_11 = arith.constant 0 : index
    %get3A_12 = vector.load %arg3[%get3A_10, %get3A_11] : memref<1024x64xf32, #tpu.memory_space<vmem>>, vector<1024x64xf32>
    %dot_general3A = arith.constant dense<0.000000e+00> : vector<64x64xf32>
    %dot_general3A_13 = tpu.matmul %convert_element_type3A_9, %get3A_12, %dot_general3A {dimension_numbers = #tpu.dot_dimension_numbers<[1], [0], [0], [1], [0, 0, 1, 1], [], []>, transpose_lhs_hint = false} : vector<64x1024xf32>, vector<1024x64xf32>, vector<64x64xf32> -> vector<64x64xf32>
    %convert_element_type3A_14 = arith.fptosi %dot_general3A_13 : vector<64x64xf32> to vector<64x64xi32>
    %swap3A = arith.constant 0 : index
    %swap3A_15 = arith.constant 0 : index
    %swap3A_16 = vector.load %arg4[%swap3A, %swap3A_15] : memref<64x64xi32, #tpu.memory_space<vmem>>, vector<64x64xi32>
    tpu.vector_store %arg4[%swap3A, %swap3A_15], %convert_element_type3A_14 {strides = array<i32>} : memref<64x64xi32, #tpu.memory_space<vmem>>, vector<64x64xi32>,
    return
  }
  func.func @transform_0(%arg0: i32) -> (i32, i32) {
    %c0_i32 = arith.constant 0 : i32
    %c0_i32_0 = arith.constant 0 : i32
    return %arg0, %c0_i32 : i32, i32
  }
  func.func @transform_1(%arg0: i32) -> (i32, i32) {
    %c0_i32 = arith.constant 0 : i32
    %c0_i32_0 = arith.constant 0 : i32
    return %arg0, %c0_i32 : i32, i32
  }
  func.func @transform_2(%arg0: i32) -> (i32, i32) {
    %c0_i32 = arith.constant 0 : i32
    %c0_i32_0 = arith.constant 0 : i32
    %c0_i32_1 = arith.constant 0 : i32
    return %c0_i32, %c0_i32_0 : i32, i32
  }
  func.func @transform_3(%arg0: i32) -> (i32, i32) {
    %c0_i32 = arith.constant 0 : i32
    %c0_i32_0 = arith.constant 0 : i32
    return %arg0, %c0_i32 : i32, i32
  }
}

</mosaic_0001>

<sc_bundles>
// kernel: kernel.5.cloned.1.call-start
scs
__scs_entry_jumppad:
0x0: {  	(pc) =	sbr.rel $0x88, $3  }
0x1: {  	(tag) =	ssettag $0x0;
	lr =	simm.s32 $0x1  }
0x2: {  	[smem:$0x3F9C] =	sst lr;
	_ =	strace $0xD0000000  }
0x3: {  	_ = 	snop  }
0x4: {  	_ = 	snop  }
0x5: {  	_ = 	snop  }
0x6: {  	_ = 	snop  }
0x7: {  	_ = 	snop  }
__scs_overlays_trampoline_lowered:
0x8: {  	[smem:$0x3FAB] =	sst s0  }
0x9: {  	[smem:$0x3FAC] =	sst s1  }
0xa: {  	[smem:$0x3FAD] =	sst s2  }
0xb: {  	[smem:$0x3FAE] =	sst s3  }
0xc: {  	[smem:$0x3FAF] =	sst s4  }
0xd: {  	[smem:$0x3FB0] =	sst s5  }
0xe: {  	[smem:$0x3FB1] =	sst s6  }
0xf: {  	[smem:$0x3FB2] =	sst s7  }
0x10: {  	[smem:$0x3FB3] =	sst s8  }
0x11: {  	[smem:$0x3FB4] =	sst s9;
	s0 =	simm.s32 @!p0 $0x0  }
0x12: {  	s1 =	sld [smem:$0x3F9A];
	s0 =	simm.s32 @p0 $0x1  }
0x13: {  	[smem:$0x3FB5] =	sst s0;
	s0 =	simm.s32 @!p1 $0x0  }
0x14: {  	s2 =	sld [smem:$0x3F99];
	s0 =	simm.s32 @p1 $0x1  }
0x15: {  	[smem:$0x3FB6] =	sst s0;
	s0 =	simm.s32 @!p2 $0x0  }
0x16: {  	s3 =	sld [smem:$0x3FDB];
	s0 =	simm.s32 @p2 $0x1  }
0x17: {  	s4 =	simm.s32 $0x1BF5;
	[smem:$0x3FB8] =	sst s0  }
0x18: {  	s0 =	sld [smem:$0x3F9B];
	_ =	swait.ge [sflag:s4], $0x0  }
0x19: {  	s7 =	sld [smem:$0x3F9C]  }
0x1a: {  	s8 =	sadd.s32 $0xFFFFE003, lr  }
0x1b: {  	s9 =	sadd.s32 $0xFFFFFEF7, lr;
	s5 =	simm.s32 $0xFFFFFFFF;
	p2 =	slt.u32 s8, $0xFFFFF086  }
0x1c: {  	p1 =	slt.u32 s9, $0xF7A;
	s5 =	simm.s32 @!p2 $0x0  }
0x1d: {  	s5 =	simm.s32 @p1 $0x1;
	p0 =	seq.s32 s7, s2  }
0x1e: {  	s7 =	smul.u32 @!p0 $0xF7A, s2;
	p2 =	seq.s32 @!p0 s5, $0x0  }
0x1f: {  	s9 =	smul.u32 $0xF7A, s1;
	s8 =	simm.s32 @!p0 $0x1BF5;
	p2 =	por !p2, p0  }
0x20: {  	[sflag:s8] =	ssyncset.s32 @!p0 $0xFFFFF086;
	s6 =	sadd.s32 @!p0 s3, s7;
	s7 =	simm.s32 @!p0 $0x108  }
0x21: {  	s3 =	sadd.s32 s3, s9;
	s6 =	sadd.s32 @!p0 $0x88, s6;
	s7 =	simm.s32 @p2 $0x1082  }
0x22: {  	[simem:s7], [sflag:s8] =	dma.local @!p0 [hbm:s6], $0xF7A  }
0x23: {  	s9 =	sor.u32 $0xD0000000, s2;
	s6 =	simm.s32 $0x108;
	_ =	swait.ge @!p0 [sflag:s8], $0x0  }
0x24: {  	s3 =	sadd.s32 $0x88, s3;
	s6 =	simm.s32 @!p1 $0x1082;
	[sflag:s4] =	ssyncset.s32 $0xFFFFF086  }
0x25: {  	[simem:s6], [sflag:s4] =	dma.local [hbm:s3], $0xF7A  }
0x26: {  	[smem:$0x3F9C] =	sst s1;
	(tag) =	ssettag s2;
	_ =	strace s9  }
0x27: {  	s1 =	sld [smem:$0x3FAC]  }
0x28: {  	s2 =	sld [smem:$0x3FAD]  }
0x29: {  	s4 =	sld [smem:$0x3FAF]  }
0x2a: {  	p0 =	seq.s32 s5, $0x0;
	s5 =	sld [smem:$0x3FB0]  }
0x2b: {  	s6 =	sld [smem:$0x3FB1]  }
0x2c: {  	s7 =	sld [smem:$0x3FB2]  }
0x2d: {  	s3 =	simm.s32 $0x108;
	s8 =	sld [smem:$0x3FB3]  }
0x2e: {  	s3 =	simm.s32 @!p0 $0x1082;
	s9 =	sld [smem:$0x3FB4]  }
0x2f: {  	lr =	sadd.s32 s0, s3;
	s0 =	sld [smem:$0x3FAB]  }
0x30: {  	s3 =	sld [smem:$0x3FAE]  }
0x31: {  	[smem:$0x3FB7] =	sst s10  }
0x32: {  	s10 =	sld [smem:$0x3FB5];
	_ =	sdelay $0x3  }
0x33: {  	p0 =	seq.s32 s10, $0x1;
	s10 =	sld [smem:$0x3FB7];
	_ =	sdelay $0x3  }
0x34: {  	[smem:$0x3FB7] =	sst s10  }
0x35: {  	s10 =	sld [smem:$0x3FB6];
	_ =	sdelay $0x3  }
0x36: {  	p1 =	seq.s32 s10, $0x1;
	s10 =	sld [smem:$0x3FB7];
	_ =	sdelay $0x3  }
0x37: {  	[smem:$0x3FB7] =	sst s10  }
0x38: {  	s10 =	sld [smem:$0x3FB8]  }
0x39: {  	_ = 	snop;
	(pc) =	sbr.ind lr, $3  }
0x3a: {  	_ = 	snop  }
0x3b: {  	_ = 	snop  }
0x3c: {  	p2 =	seq.s32 s10, $0x1;
	s10 =	sld [smem:$0x3FB7]  }
0x3d: {  	_ =	shalt  }
0x3e: {  	_ =	shalt  }
0x3f: {  	_ =	shalt  }
0x40: {  	_ =	shalt  }
0x41: {  	_ =	shalt  }
0x42: {  	_ =	shalt  }
0x43: {  	_ =	shalt  }
0x44: {  	_ =	shalt  }
0x45: {  	_ =	shalt  }
0x46: {  	_ =	shalt  }
0x47: {  	_ =	shalt  }
0x48: {  	_ =	shalt  }
0x49: {  	_ =	shalt  }
0x4a: {  	_ =	shalt  }
0x4b: {  	_ =	shalt  }
0x4c: {  	_ =	shalt  }
0x4d: {  	_ =	shalt  }
0x4e: {  	_ =	shalt  }
0x4f: {  	_ =	shalt  }
0x50: {  	_ =	shalt  }
0x51: {  	_ =	shalt  }
0x52: {  	_ =	shalt  }
0x53: {  	_ =	shalt  }
0x54: {  	_ =	shalt  }
0x55: {  	_ =	shalt  }
0x56: {  	_ =	shalt  }
0x57: {  	_ =	shalt  }
0x58: {  	_ =	shalt  }
0x59: {  	_ =	shalt  }
0x5a: {  	_ =	shalt  }
0x5b: {  	_ =	shalt  }
0x5c: {  	_ =	shalt  }
0x5d: {  	_ =	shalt  }
0x5e: {  	_ =	shalt  }
0x5f: {  	_ =	shalt  }
0x60: {  	_ =	shalt  }
0x61: {  	_ =	shalt  }
0x62: {  	_ =	shalt  }
0x63: {  	_ =	shalt  }
0x64: {  	_ =	shalt  }
0x65: {  	_ =	shalt  }
0x66: {  	_ =	shalt  }
0x67: {  	_ =	shalt  }
0x68: {  	_ =	shalt  }
0x69: {  	_ =	shalt  }
0x6a: {  	_ =	shalt  }
0x6b: {  	_ =	shalt  }
0x6c: {  	_ =	shalt  }
0x6d: {  	_ =	shalt  }
0x6e: {  	_ =	shalt  }
0x6f: {  	_ =	shalt  }
0x70: {  	_ =	shalt  }
0x71: {  	_ =	shalt  }
0x72: {  	_ =	shalt  }
0x73: {  	_ =	shalt  }
0x74: {  	_ =	shalt  }
0x75: {  	_ =	shalt  }
0x76: {  	_ =	shalt  }
0x77: {  	_ =	shalt  }
0x78: {  	_ =	shalt  }
0x79: {  	_ =	shalt  }
0x7a: {  	_ =	shalt  }
0x7b: {  	_ =	shalt  }
0x7c: {  	_ =	shalt  }
0x7d: {  	_ =	shalt  }
0x7e: {  	_ =	shalt  }
0x7f: {  	_ =	shalt  }
0x80: {  	_ =	shalt  }
0x81: {  	_ =	shalt  }
0x82: {  	_ =	shalt  }
0x83: {  	_ =	shalt  }
0x84: {  	_ =	shalt  }
0x85: {  	_ =	shalt  }
0x86: {  	_ =	shalt  }
0x87: {  	_ =	shalt  }
.Lfunc_end0:
.L_simem_size_0:
called_computation_lowered:
.L_overlay_start_0:
0x88: {  	s2 =	sld [smem:$0x3FD9]  }
0x89: {  	s3 =	sld [smem:$0x3FFE];
	_ =	sdelay $0x1  }
0x8a: {  	s1 =	srdreg.scid  }
0x8b: {  	s0 =	sand.u32 $0x1, s1  }
0x8c: {  	s14 =	sshll.u32 s0, $0xA;
	s2 =	sadd.s32 s3, s2  }
0x8d: {  	s2 =	sadd.s32 s2, s14  }
0x8e: {  	[smem:$0x3FC3] =	sst s2  }
0x8f: {  	_ = 	snop  }
0x90: {  	s2 =	sld [smem:$0x3FD0];
	_ =	sdelay $0x2  }
0x91: {  	s4 =	simm.s32 $0xA;
	s5 =	simm.s32 $0x10;
	s15 =	sld [smem:$0x3FC5]  }
0x92: {  	[smem:s5], [sflag:s4] =	dma.local [hbm:s2], $0x1  }
0x93: {  	_ =	swait.eq [sflag:s4], $0x1  }
0x94: {  	[sflag:s4] =	ssyncset.done $0x0  }
0x95: {  	[sflag:s4] =	ssyncadd.s32 $0xFFFFFFFF  }
0x96: {  	s16 =	sld [smem:$0x10];
	(tm) =	ssettm $0x1  }
0x97: {  	s17 =	sld [smem:$0x3FFB];
	_ =	sdelay $0x3  }
0x98: {  	_ =	strace s17  }
0x99: {  	s4 =	sld [smem:$0x3FFC];
	_ =	sdelay $0x3  }
0x9a: {  	_ =	strace s4  }
0x9b: {  	s4 =	sld [smem:$0x3FFD];
	_ =	sdelay $0x3  }
0x9c: {  	_ =	strace s4  }
0x9d: {  	_ =	strace $0x8FFFFFFF  }
0x9e: {  	s18 =	sld [smem:$0x3FDB];
	_ =	sdelay $0x1  }
0x9f: {  	s19 =	simm.s32 $_scs_section_size  }
0xa0: {  	s6 =	simm.s32 $_size__tile_overlayer_lowered;
	s7 =	simm.s32 $_tile_overlayer_lowered  }
0xa1: {  	s22 =	simm.s32 $0x1BFF;
	s21 =	sshll.u32 s7, $0x1;
	s4 =	sadd.s32 s19, s18  }
0xa2: {  	s8 =	simm.s32 $0x0;
	s20 =	sshll.u32 s6, $0x1;
	s6 =	sadd.s32 s21, s4  }
0xa3: {  	[timem:s8], [sflag:s22] =	dma.local [hbm:s6], s20  }
0xa4: {  	_ =	swait.ge [sflag:s22], s20  }
0xa5: {  	s5 =	ssub.s32 $0x0, s20;
	[sflag:s22] =	ssyncset.done $0x0  }
0xa6: {  	[sflag:s22] =	ssyncadd.s32 s5;
	_ =	sdelay $0x1  }
0xa7: {  	s23 =	simm.s32 $0x1B8B  }
0xa8: {  	_ =	swait.ge [sflag:s23], $0x1  }
0xa9: {  	[sflag:s23] =	ssyncset.done $0x0  }
0xaa: {  	s25 =	simm.s32 $0x1B8E;
	s24 =	sld [smem:$0x3FFE];
	[sflag:s23] =	ssyncadd.s32 $0xFFFFFFFF  }
0xab: {  	s26 =	simm.s32 $execute0_lowered;
	[smem:$0x3FD2] =	sst s25  }
0xac: {  	s6 =	sshll.u32 s26, $0x1;
	_ =	strace $0x80000046;
	[dreg:$0x1] =	wrdreg $0xFFFFFFFF  }
0xad: {  	s28 =	simm.s32 $_size_execute0_lowered;
	s4 =	sadd.s32 s4, s6;
	[dreg:$0x0] =	wrdreg $0x0  }
0xae: {  	s6 =	sshll.u32 s28, $0x1;
	[dreg:$0x2] =	wrdreg s4  }
0xaf: {  	[dreg:$0x3] =	wrdreg s6  }
0xb0: {  	[dreg:$0x4] =	wrdreg $0xC0  }
0xb1: {  	_ =	task [dreg:s8], $0x5FFFF  }
0xb2: {  	[dreg:$0x1] =	wrdreg $0xFFFFFFFF  }
0xb3: {  	[dreg:$0x0] =	wrdreg $0x60  }
0xb4: {  	[dreg:$0x2] =	wrdreg s15  }
0xb5: {  	[dreg:$0x3] =	wrdreg s16  }
0xb6: {  	[dreg:$0x4] =	wrdreg s24  }
0xb7: {  	[dreg:$0x5] =	wrdreg $0x9  }
0xb8: {  	_ =	task.clear_ibuf [dreg:s8], $0x6FFFF;
	_ =	strace $0x90000046  }
0xb9: {  	s29 =	simm.s32 $0x9;
	_ =	strace $0x80000048  }
0xba: {  	_ =	swait.ge [sflag:s29], $0x1  }
0xbb: {  	[sflag:s29] =	ssyncadd.s32 $0xFFFFFFFF  }
0xbc: {  	_ =	strace $0x90000048  }
0xbd: {  	_ =	sfence  }
0xbe: {  	s30 =	sld [smem:$0x0];
	_ =	sdelay $0x2  }
0xbf: {  	s31 =	sshll.u32 s1, $0xD;
	s1 =	sshrl.u32 s1, $0x2  }
0xc0: {  	s3 =	sand.u32 $0x4000, s31;
	s1 =	sadd.s32 s1, s30  }
0xc1: {  	s0 =	sor.u32 s3, s0;
	s1 =	sshll.u32 s1, $0x11  }
0xc2: {  	s0 =	sor.u32 s1, s0  }
0xc3: {  	s0 =	sadd.s32 $0x8F2B, s0  }
0xc4: {  	[sflag:s0] =	ssyncadd.remote.s32 $0x1  }
0xc5: {  	_ =	sfence.sel $0xFFFF  }
0xc6: {  	[dreg:$0x0] =	wrdreg $0xFFFFFFFF;
	(pc) =	sbr.abs _section_cstart, $3  }
0xc7: {  	[dreg:$0x1] =	wrdreg $0xFFFFFFFF  }
0xc8: {  	_ =	task.clear_ibuf [dreg:s8], $0x2FFFF;
	_ =	strace $0x9FFFFFFF  }
0xc9: {  	(tm) =	ssettm $0x7FFFFFFF  }
tec
execute0_lowered:
.L_overlay_start_1:
0x0: {  	(tag) =	ssettag $0x1  }
0x1: {  	s4 =	rddreg [dreg:$0x0]  }
0x2: {  	s5 =	rddreg [dreg:$0x1]  }
0x3: {  	s0 =	srdreg.scid;
	s8 =	rddreg [dreg:$0x2];
	s2 =	simm.s32 $0x0  }
0x4: {  	s9 =	simm.s32 $0x1;
	s13 =	simm.s32 $0xF000;
	s14 =	simm.s32 $0x14010  }
0x5: {  	s15 =	simm.s32 $0x0;
	s3 =	sand.u32 $0x1, s0;
	s0 =	stileid.u32  }
0x6: {  	[smem:$0x7FF] =	sst s2;
	s11 =	sadd.s32 $0xE00, s8;
	s1 =	sshll.u32 s3, $0x4  }
0x7: {  	s7 =	sand.u32 $0x7, s0;
	s3 =	ssub.s32 $0x2, s3;
	s6 =	sor.u32 s0, s1  }
0x8: {  	p1 =	sne.s32 s7, $0x0;
	s1 =	rddreg [dreg:$0x3];
	_ =	strace $0x80000047  }
0x9: {  	s7 =	smul.u32 $0x1400, s7;
	s29 =	sshrl.u32 s3, $0x1;
	p0 =	seq.s32 s6, $0x0  }
0xa: {  	s10 =	sshrl.u32 s6, $0x3;
	s12 =	smul.u32 $0xA000, s6;
	p0 =	por !p1, !p0  }
0xb: {  	s28 =	sshll.u32 s6, $0x2;
	s31 =	smul.u32 $0x1400, s6;
	p0 =	por !p0, !p0  }
0xc: {  	s8 =	sadd.s32 s28, s8;
	s12 =	sshrl.u32 s12, $0x3;
	s9 =	simm.s32 @!p0 $0x0  }
0xd: {  	s6 =	sadd.s32 $0x28E00, s8;
	s12 =	sadd.s32 s11, s12;
	s9 =	ssub.s32 s10, s9  }
0xe: {  	s10 =	ssub.s32 s3, s29;
	s3 =	sadd.s32 s4, s7;
	s9 =	smul.u32 $0x5000, s9  }
0xf: {  	s4 =	simm.s32 $0x1;
	s7 =	sadd.s32 $0x28E02, s8;
	s8 =	sadd.s32 s11, s31  }
0x10: {  	s11 =	simm.s32 $0xA000;
	s10 =	smax.u32 s10, $0x1;
	s30 =	sshrl.u32 s9, $0x3  }
0x11: {  	s9 =	sadd.s32 $0xA00, s12;
	s12 =	simm.s32 $0x19080;
	s5 =	sadd.s32 s5, s30  }
.LBB2_1:
0x12: {  	[tilespmem:s2], [sflag:$0x1] =	stream.linear.gather [hbm4b:s3+s2], $0xA000, $0x38;
	[tilespmem:$0x19100] =	vst v63  }
0x13: {  	_ =	swait.ge [sflag:s4], $0xA000  }
0x14: {  	[sflag:s4] =	ssyncset.done $0x0  }
0x15: {  	[sflag:s4] =	ssyncadd.s32 $0xFFFF6000  }
0x16: {  	[tilespmem:s11], [sflag:$0x1] =	stream.linear.gather [hbm4b:s5+s2], $0x5000, $0x38;
	[tilespmem:$0x19100] =	vst v63  }
0x17: {  	_ =	swait.ge [sflag:s4], $0x5000  }
0x18: {  	[sflag:s4] =	ssyncset.done $0x0  }
0x19: {  	[sflag:s4] =	ssyncadd.s32 $0xFFFFB000  }
0x1a: {  	s16 =	sand.u32 $0x7FE0, s2;
	v0 =	vld [tilespmem:s2+$0x0]  }
0x1b: {  	v1 =	vld [tilespmem:s16+$0x5000];
	_ =	sdelay $0x3  }
0x1c: {  	v2 =	vshrl.u32 v0, $0x4  }
0x1d: {  	v3 =	vshrl.u32 v1, $0x4;
	_ =	sdelay $0x3  }
0x1e: {  	v2 =	vld.idx.msk [tilespmem:v2+s11+$0x0], $0xffff  }
0x1f: {  	v3 =	vld.idx.msk [tilespmem:v3+s11+$0x0], $0xffff;
	_ =	sdelay $0x2  }
0x20: {  	v4 =	vand.u32 $0xF, v0  }
0x21: {  	v5 =	vand.u32 $0xF, v1;
	v2 =	vshrl.u32 v2, v4  }
0x22: {  	v3 =	vshrl.u32 v3, v5;
	v2 =	vand.u32 $0x1, v2  }
0x23: {  	vm0 =	veq.s32 v2, $0x1;
	v2 =	vand.u32 $0x1, v3  }
0x24: {  	vm1 =	veq.s32 v2, $0x1;
	[tilespmem:s2+$0xF000] =	vst.msk vm0, v0  }
0x25: {  	[tilespmem:s2+$0x14010] =	vst.msk vm1, v1  }
0x26: {  	v1 =	vmpcnt.ones.xlane vm0;
	v0 =	vld [tilespmem:s2+$0x10];
	_ =	sdelay $0x1  }
0x27: {  	v2 =	vmpcnt.ones.xlane vm1;
	(v2sf) =	vpush v1, $0x0;
	v1 =	vld [tilespmem:s2+$0x5010];
	_ =	sdelay $0x1  }
0x28: {  	(v2sf) =	vpush v2, $0x0  }
0x29: {  	v3 =	vshrl.u32 v0, $0x4;
	_ =	sdelay $0x1  }
0x2a: {  	v2 =	vshrl.u32 v1, $0x4;
	_ =	sdelay $0x2  }
0x2b: {  	v3 =	vld.idx.msk [tilespmem:v3+s11+$0x0], $0xffff;
	_ =	sdelay $0x1  }
0x2c: {  	v2 =	vld.idx.msk [tilespmem:v2+s11+$0x0], $0xffff;
	_ =	sdelay $0x1  }
0x2d: {  	v4 =	vand.u32 $0xF, v0  }
0x2e: {  	v3 =	vshrl.u32 v3, v4  }
0x2f: {  	v4 =	vand.u32 $0xF, v1;
	v3 =	vand.u32 $0x1, v3  }
0x30: {  	v2 =	vshrl.u32 v2, v4;
	vm14 =	veq.s32 v3, $0x1  }
0x31: {  	s30 =	spop (v2sf);
	v2 =	vand.u32 $0x1, v2;
	v3 =	vmpcnt.ones.xlane vm14  }
0x32: {  	s17 =	spop (v2sf);
	s19 =	sadd.s32 $0x0, s30;
	vm15 =	veq.s32 v2, $0x1  }
0x33: {  	s18 =	sadd.s32 $0x0, s17;
	[tilespmem:s19+$0xF000] =	vst.msk vm14, v0;
	v5 =	vmpcnt.ones.xlane vm15;
	(v2sf) =	vpush v3, $0x0  }
0x34: {  	s16 =	simm.s32 $0x20;
	[tilespmem:s18+$0x14010] =	vst.msk vm15, v1  }
0x35: {  	s31 =	sand.u32 $0x7FE0, s16;
	v0 =	vld [tilespmem:s16+$0x0];
	(v2sf) =	vpush v5, $0x0  }
0x36: {  	v1 =	vld [tilespmem:s31+$0x5000];
	_ =	sdelay $0x3  }
0x37: {  	v2 =	vshrl.u32 v0, $0x4  }
0x38: {  	v3 =	vshrl.u32 v1, $0x4;
	_ =	sdelay $0x3  }
0x39: {  	v4 =	vld.idx.msk [tilespmem:v2+s11+$0x0], $0xffff  }
0x3a: {  	v3 =	vld.idx.msk [tilespmem:v3+s11+$0x0], $0xffff;
	_ =	sdelay $0x1  }
0x3b: {  	s21 =	simm.s32 $0x40;
	v5 =	vand.u32 $0xF, v0;
	v2 =	vand.u32 $0xF, v1;
	s20 =	spop (v2sf)  }
.LBB2_2:
0x3c: {  	s19 =	sadd.s32 s19, s20  }
0x3d: {  	v4 =	vshrl.u32 v4, v5;
	s22 =	spop (v2sf);
	s20 =	smov.u32 s21;
	s17 =	sadd.s32 $0x20, s21  }
0x3e: {  	p0 =	sne.s32 s21, $0x4FE0;
	v2 =	vshrl.u32 v3, v2;
	v4 =	vand.u32 $0x1, v4;
	s18 =	sadd.s32 s18, s22  }
0x3f: {  	v2 =	vand.u32 $0x1, v2;
	vm0 =	veq.s32 v4, $0x1  }
0x40: {  	vm1 =	veq.s32 v2, $0x1;
	[tilespmem:s19+$0xF000] =	vst.msk vm0, v0;
	v0 =	vmpcnt.ones.xlane vm0  }
0x41: {  	[tilespmem:s18+$0x14010] =	vst.msk vm1, v1;
	v1 =	vmpcnt.ones.xlane vm1  }
0x42: {  	v2 =	vld [tilespmem:s16+$0x10];
	(v2sf) =	vpush v0, $0x0  }
0x43: {  	v0 =	vld [tilespmem:s16+$0x5010];
	(v2sf) =	vpush v1, $0x0;
	_ =	sdelay $0x3  }
0x44: {  	v1 =	vshrl.u32 v2, $0x4  }
0x45: {  	v3 =	vshrl.u32 v0, $0x4;
	_ =	sdelay $0x3  }
0x46: {  	v1 =	vld.idx.msk [tilespmem:v1+s11+$0x0], $0xffff  }
0x47: {  	v3 =	vld.idx.msk [tilespmem:v3+s11+$0x0], $0xffff;
	_ =	sdelay $0x3  }
0x48: {  	v4 =	vand.u32 $0xF, v2;
	v5 =	vand.u32 $0xF, v0;
	s21 =	spop (v2sf)  }
0x49: {  	v1 =	vshrl.u32 v1, v4;
	s22 =	spop (v2sf)  }
0x4a: {  	v1 =	vand.u32 $0x1, v1;
	v3 =	vshrl.u32 v3, v5  }
0x4b: {  	s19 =	sadd.s32 s19, s21;
	vm0 =	veq.s32 v1, $0x1;
	v1 =	vand.u32 $0x1, v3  }
0x4c: {  	s18 =	sadd.s32 s18, s22;
	vm1 =	veq.s32 v1, $0x1;
	v1 =	vmpcnt.ones.xlane vm0;
	[tilespmem:s19+$0xF000] =	vst.msk vm0, v2  }
0x4d: {  	s16 =	sadd.s32 $0x20, s16;
	v2 =	vmpcnt.ones.xlane vm1;
	[tilespmem:s18+$0x14010] =	vst.msk vm1, v0  }
0x4e: {  	s20 =	sand.u32 $0x7FE0, s20;
	v0 =	vld [tilespmem:s16+$0x0];
	(v2sf) =	vpush v1, $0x0  }
0x4f: {  	v1 =	vld [tilespmem:s20+$0x5000];
	(v2sf) =	vpush v2, $0x0;
	_ =	sdelay $0x3  }
0x50: {  	v3 =	vshrl.u32 v0, $0x4  }
0x51: {  	v5 =	vshrl.u32 v1, $0x4;
	v2 =	vand.u32 $0xF, v1;
	_ =	sdelay $0x3  }
0x52: {  	v4 =	vld.idx.msk [tilespmem:v3+s11+$0x0], $0xffff  }
.Ltmp0:
0x53: {  	v3 =	vld.idx.msk [tilespmem:v5+s11+$0x0], $0xffff;
	(pc) =	sbr.rel @p0 .LBB2_2-.Ltmp0, $2  }
0x54: {  	_ =	sdelay $0x2  }
0x55: {  	s21 =	smov.u32 s17;
	v5 =	vand.u32 $0xF, v0;
	s20 =	spop (v2sf)  }
0x56: {  	v4 =	vshrl.u32 v4, v5  }
0x57: {  	v2 =	vshrl.u32 v3, v2;
	v4 =	vand.u32 $0x1, v4  }
0x58: {  	s17 =	sadd.s32 s19, s20;
	s26 =	spop (v2sf);
	v2 =	vand.u32 $0x1, v2;
	vm0 =	veq.s32 v4, $0x1  }
0x59: {  	s18 =	sadd.s32 s18, s26;
	vm1 =	veq.s32 v2, $0x1;
	[tilespmem:s17+$0xF000] =	vst.msk vm0, v0  }
0x5a: {  	[tilespmem:s18+$0x14010] =	vst.msk vm1, v1  }
0x5b: {  	v0 =	vld [tilespmem:s16+$0x10];
	_ =	sdelay $0x2  }
0x5c: {  	v1 =	vld [tilespmem:s16+$0x5010];
	_ =	sdelay $0x1  }
0x5d: {  	v55 =	vshrl.u32 v0, $0x4;
	_ =	sdelay $0x2  }
0x5e: {  	v56 =	vshrl.u32 v1, $0x4;
	_ =	sdelay $0x1  }
0x5f: {  	v2 =	vld.idx.msk [tilespmem:v55+s11+$0x0], $0xffff;
	_ =	sdelay $0x2  }
0x60: {  	v3 =	vld.idx.msk [tilespmem:v56+s11+$0x0], $0xffff  }
0x61: {  	v57 =	vand.u32 $0xF, v0  }
0x62: {  	v2 =	vshrl.u32 v2, v57  }
0x63: {  	v58 =	vmpcnt.ones.xlane vm0;
	v2 =	vand.u32 $0x1, v2  }
0x64: {  	v59 =	vmpcnt.ones.xlane vm1;
	v60 =	vand.u32 $0xF, v1;
	vm14 =	veq.s32 v2, $0x1  }
0x65: {  	(v2sf) =	vpush v58, $0x0;
	v2 =	vshrl.u32 v3, v60;
	v61 =	vmpcnt.ones.xlane vm14  }
0x66: {  	(v2sf) =	vpush v59, $0x0;
	v2 =	vand.u32 $0x1, v2  }
0x67: {  	vm15 =	veq.s32 v2, $0x1;
	(v2sf) =	vpush v61, $0x0  }
0x68: {  	v2 =	vmpcnt.ones.xlane vm15;
	_ =	sdelay $0x1  }
0x69: {  	(v2sf) =	vpush v2, $0x0;
	_ =	sdelay $0x9  }
0x6a: {  	s28 =	spop (v2sf)  }
0x6b: {  	s29 =	spop (v2sf)  }
0x6c: {  	s16 =	sadd.s32 s17, s28;
	s30 =	spop (v2sf)  }
0x6d: {  	s18 =	sadd.s32 s18, s29;
	[tilespmem:s16+$0xF000] =	vst.msk vm14, v0;
	s16 =	sadd.s32 s16, s30  }
0x6e: {  	[tilespmem:s18+$0x14010] =	vst.msk vm15, v1;
	v62 =	vmov s16  }
0x6f: {  	s31 =	spop (v2sf);
	[tilespmem:$0x19080] =	vst v62  }
0x70: {  	[hbm4b:s6+s2] =	stream.linear.scatter [tilespmem:s12], [sflag:$0x1], $0x10, $0x38;
	[tilespmem:$0x19100] =	vst v63  }
0x71: {  	_ =	swait.ge [sflag:s4], $0x10  }
0x72: {  	s16 =	sadd.s32 s18, s31;
	[sflag:s4] =	ssyncset.done $0x0  }
0x73: {  	v63 =	vmov s16;
	[sflag:s4] =	ssyncadd.s32 $0xFFFFFFF0  }
0x74: {  	[tilespmem:$0x19080] =	vst v63  }
0x75: {  	[hbm4b:s7+s2] =	stream.linear.scatter [tilespmem:s12], [sflag:$0x1], $0x10, $0x38;
	[tilespmem:$0x19100] =	vst v63  }
0x76: {  	_ =	swait.ge [sflag:s4], $0x10  }
0x77: {  	[sflag:s4] =	ssyncset.done $0x0  }
0x78: {  	[sflag:s4] =	ssyncadd.s32 $0xFFFFFFF0  }
0x79: {  	[hbm4b:s8+s2] =	stream.linear.scatter [tilespmem:s13], [sflag:$0x1], $0x5000, $0x38;
	[tilespmem:$0x19100] =	vst v63  }
0x7a: {  	s15 =	sadd.s32 $0x1, s15;
	_ =	swait.ge [sflag:s4], $0x5000  }
0x7b: {  	p0 =	sne.s32 s15, s10;
	[sflag:s4] =	ssyncset.done $0x0  }
.Ltmp1:
0x7c: {  	[sflag:s4] =	ssyncadd.s32 $0xFFFFB000;
	(pc) =	sbr.rel @p0 .LBB2_1-.Ltmp1, $4  }
0x7d: {  	[hbm4b:s9+s2] =	stream.linear.scatter [tilespmem:s14], [sflag:$0x1], $0x5000, $0x38;
	[tilespmem:$0x19100] =	vst v63  }
0x7e: {  	_ =	swait.ge [sflag:s4], $0x5000  }
0x7f: {  	[sflag:s4] =	ssyncset.done $0x0  }
0x80: {  	[sflag:s4] =	ssyncadd.s32 $0xFFFFB000  }
0x81: {  	_ =	sfence.sel $0x180000  }
0x82: {  	[bflag:$0x0] =	sbarrier.arrive $0xFFFF  }
0x83: {  	p0 =	sne.s32 s0, $0x0;
	_ =	strace $0x90000047  }
0x84: {  	s0 =	sadd.s32 @!p0 $0x100000, s1;
	[bflag:$0x2] =	sbarrier.arrive $0xFFFF  }
0x85: {  	[sflag:s0] =	ssyncadd.tile.s32 @!p0 $0x1;
	_ =	shalt  }
.Lfunc_end2:
_tile_overlayer_lowered:
.L_overlay_start_2:
0x86: {  	(tag) =	ssettag $0x2  }
0x87: {  	s0 =	rddreg [dreg:$0x0];
	s2 =	stileid.u32  }
0x88: {  	s1 =	rddreg [dreg:$0x1];
	p0 =	sne.s32 s2, $0x0  }
0x89: {  	s3 =	rddreg [dreg:$0x2];
	[bflag:$0x3] =	sbarrier.arrive $0xFFFF;
	s2 =	simm.s32 @!p0 $0x1C01  }
0x8a: {  	[timem:s3], [sflag:s2] =	dma.local @!p0 [hbm:s0], s1  }
0x8b: {  	s0 =	simm.s32 @!p0 $0x1  }
0x8c: {  	_ =	swait.ge @!p0 [sflag:s0], s1  }
0x8d: {  	s1 =	ssub.s32 @!p0 $0x0, s1;
	[sflag:s0] =	ssyncset.done @!p0 $0x0  }
0x8e: {  	[sflag:s0] =	ssyncadd.s32 @!p0 s1  }
0x8f: {  	[bflag:$0x3] =	sbarrier.arrive $0xFFFF  }
0x90: {  	_ =	shalt  }

// kernel: kernel.8.cloned.1.call-start
scs
__scs_entry_jumppad:
0x0: {  	(pc) =	sbr.rel $0x88, $3  }
0x1: {  	(tag) =	ssettag $0x0;
	lr =	simm.s32 $0x1  }
0x2: {  	[smem:$0x3F9C] =	sst lr;
	_ =	strace $0xD0000000  }
0x3: {  	_ = 	snop  }
0x4: {  	_ = 	snop  }
0x5: {  	_ = 	snop  }
0x6: {  	_ = 	snop  }
0x7: {  	_ = 	snop  }
__scs_overlays_trampoline_lowered:
0x8: {  	[smem:$0x3FAB] =	sst s0  }
0x9: {  	[smem:$0x3FAC] =	sst s1  }
0xa: {  	[smem:$0x3FAD] =	sst s2  }
0xb: {  	[smem:$0x3FAE] =	sst s3  }
0xc: {  	[smem:$0x3FAF] =	sst s4  }
0xd: {  	[smem:$0x3FB0] =	sst s5  }
0xe: {  	[smem:$0x3FB1] =	sst s6  }
0xf: {  	[smem:$0x3FB2] =	sst s7  }
0x10: {  	[smem:$0x3FB3] =	sst s8  }
0x11: {  	[smem:$0x3FB4] =	sst s9;
	s0 =	simm.s32 @!p0 $0x0  }
0x12: {  	s1 =	sld [smem:$0x3F9A];
	s0 =	simm.s32 @p0 $0x1  }
0x13: {  	[smem:$0x3FB5] =	sst s0;
	s0 =	simm.s32 @!p1 $0x0  }
0x14: {  	s2 =	sld [smem:$0x3F99];
	s0 =	simm.s32 @p1 $0x1  }
0x15: {  	[smem:$0x3FB6] =	sst s0;
	s0 =	simm.s32 @!p2 $0x0  }
0x16: {  	s3 =	sld [smem:$0x3FDB];
	s0 =	simm.s32 @p2 $0x1  }
0x17: {  	s4 =	simm.s32 $0x1BF5;
	[smem:$0x3FB8] =	sst s0  }
0x18: {  	s0 =	sld [smem:$0x3F9B];
	_ =	swait.ge [sflag:s4], $0x0  }
0x19: {  	s7 =	sld [smem:$0x3F9C]  }
0x1a: {  	s8 =	sadd.s32 $0xFFFFE003, lr  }
0x1b: {  	s9 =	sadd.s32 $0xFFFFFEF7, lr;
	s5 =	simm.s32 $0xFFFFFFFF;
	p2 =	slt.u32 s8, $0xFFFFF086  }
0x1c: {  	p1 =	slt.u32 s9, $0xF7A;
	s5 =	simm.s32 @!p2 $0x0  }
0x1d: {  	s5 =	simm.s32 @p1 $0x1;
	p0 =	seq.s32 s7, s2  }
0x1e: {  	s7 =	smul.u32 @!p0 $0xF7A, s2;
	p2 =	seq.s32 @!p0 s5, $0x0  }
0x1f: {  	s9 =	smul.u32 $0xF7A, s1;
	s8 =	simm.s32 @!p0 $0x1BF5;
	p2 =	por !p2, p0  }
0x20: {  	[sflag:s8] =	ssyncset.s32 @!p0 $0xFFFFF086;
	s6 =	sadd.s32 @!p0 s3, s7;
	s7 =	simm.s32 @!p0 $0x108  }
0x21: {  	s3 =	sadd.s32 s3, s9;
	s6 =	sadd.s32 @!p0 $0x88, s6;
	s7 =	simm.s32 @p2 $0x1082  }
0x22: {  	[simem:s7], [sflag:s8] =	dma.local @!p0 [hbm:s6], $0xF7A  }
0x23: {  	s9 =	sor.u32 $0xD0000000, s2;
	s6 =	simm.s32 $0x108;
	_ =	swait.ge @!p0 [sflag:s8], $0x0  }
0x24: {  	s3 =	sadd.s32 $0x88, s3;
	s6 =	simm.s32 @!p1 $0x1082;
	[sflag:s4] =	ssyncset.s32 $0xFFFFF086  }
0x25: {  	[simem:s6], [sflag:s4] =	dma.local [hbm:s3], $0xF7A  }
0x26: {  	[smem:$0x3F9C] =	sst s1;
	(tag) =	ssettag s2;
	_ =	strace s9  }
0x27: {  	s1 =	sld [smem:$0x3FAC]  }
0x28: {  	s2 =	sld [smem:$0x3FAD]  }
0x29: {  	s4 =	sld [smem:$0x3FAF]  }
0x2a: {  	p0 =	seq.s32 s5, $0x0;
	s5 =	sld [smem:$0x3FB0]  }
0x2b: {  	s6 =	sld [smem:$0x3FB1]  }
0x2c: {  	s7 =	sld [smem:$0x3FB2]  }
0x2d: {  	s3 =	simm.s32 $0x108;
	s8 =	sld [smem:$0x3FB3]  }
0x2e: {  	s3 =	simm.s32 @!p0 $0x1082;
	s9 =	sld [smem:$0x3FB4]  }
0x2f: {  	lr =	sadd.s32 s0, s3;
	s0 =	sld [smem:$0x3FAB]  }
0x30: {  	s3 =	sld [smem:$0x3FAE]  }
0x31: {  	[smem:$0x3FB7] =	sst s10  }
0x32: {  	s10 =	sld [smem:$0x3FB5];
	_ =	sdelay $0x3  }
0x33: {  	p0 =	seq.s32 s10, $0x1;
	s10 =	sld [smem:$0x3FB7];
	_ =	sdelay $0x3  }
0x34: {  	[smem:$0x3FB7] =	sst s10  }
0x35: {  	s10 =	sld [smem:$0x3FB6];
	_ =	sdelay $0x3  }
0x36: {  	p1 =	seq.s32 s10, $0x1;
	s10 =	sld [smem:$0x3FB7];
	_ =	sdelay $0x3  }
0x37: {  	[smem:$0x3FB7] =	sst s10  }
0x38: {  	s10 =	sld [smem:$0x3FB8]  }
0x39: {  	_ = 	snop;
	(pc) =	sbr.ind lr, $3  }
0x3a: {  	_ = 	snop  }
0x3b: {  	_ = 	snop  }
0x3c: {  	p2 =	seq.s32 s10, $0x1;
	s10 =	sld [smem:$0x3FB7]  }
0x3d: {  	_ =	shalt  }
0x3e: {  	_ =	shalt  }
0x3f: {  	_ =	shalt  }
0x40: {  	_ =	shalt  }
0x41: {  	_ =	shalt  }
0x42: {  	_ =	shalt  }
0x43: {  	_ =	shalt  }
0x44: {  	_ =	shalt  }
0x45: {  	_ =	shalt  }
0x46: {  	_ =	shalt  }
0x47: {  	_ =	shalt  }
0x48: {  	_ =	shalt  }
0x49: {  	_ =	shalt  }
0x4a: {  	_ =	shalt  }
0x4b: {  	_ =	shalt  }
0x4c: {  	_ =	shalt  }
0x4d: {  	_ =	shalt  }
0x4e: {  	_ =	shalt  }
0x4f: {  	_ =	shalt  }
0x50: {  	_ =	shalt  }
0x51: {  	_ =	shalt  }
0x52: {  	_ =	shalt  }
0x53: {  	_ =	shalt  }
0x54: {  	_ =	shalt  }
0x55: {  	_ =	shalt  }
0x56: {  	_ =	shalt  }
0x57: {  	_ =	shalt  }
0x58: {  	_ =	shalt  }
0x59: {  	_ =	shalt  }
0x5a: {  	_ =	shalt  }
0x5b: {  	_ =	shalt  }
0x5c: {  	_ =	shalt  }
0x5d: {  	_ =	shalt  }
0x5e: {  	_ =	shalt  }
0x5f: {  	_ =	shalt  }
0x60: {  	_ =	shalt  }
0x61: {  	_ =	shalt  }
0x62: {  	_ =	shalt  }
0x63: {  	_ =	shalt  }
0x64: {  	_ =	shalt  }
0x65: {  	_ =	shalt  }
0x66: {  	_ =	shalt  }
0x67: {  	_ =	shalt  }
0x68: {  	_ =	shalt  }
0x69: {  	_ =	shalt  }
0x6a: {  	_ =	shalt  }
0x6b: {  	_ =	shalt  }
0x6c: {  	_ =	shalt  }
0x6d: {  	_ =	shalt  }
0x6e: {  	_ =	shalt  }
0x6f: {  	_ =	shalt  }
0x70: {  	_ =	shalt  }
0x71: {  	_ =	shalt  }
0x72: {  	_ =	shalt  }
0x73: {  	_ =	shalt  }
0x74: {  	_ =	shalt  }
0x75: {  	_ =	shalt  }
0x76: {  	_ =	shalt  }
0x77: {  	_ =	shalt  }
0x78: {  	_ =	shalt  }
0x79: {  	_ =	shalt  }
0x7a: {  	_ =	shalt  }
0x7b: {  	_ =	shalt  }
0x7c: {  	_ =	shalt  }
0x7d: {  	_ =	shalt  }
0x7e: {  	_ =	shalt  }
0x7f: {  	_ =	shalt  }
0x80: {  	_ =	shalt  }
0x81: {  	_ =	shalt  }
0x82: {  	_ =	shalt  }
0x83: {  	_ =	shalt  }
0x84: {  	_ =	shalt  }
0x85: {  	_ =	shalt  }
0x86: {  	_ =	shalt  }
0x87: {  	_ =	shalt  }
.Lfunc_end0:
.L_simem_size_0:
called_computation.1_lowered:
.L_overlay_start_0:
0x88: {  	s2 =	sld [smem:$0x3FD9]  }
0x89: {  	s3 =	sld [smem:$0x3FFE];
	_ =	sdelay $0x1  }
0x8a: {  	s1 =	srdreg.scid  }
0x8b: {  	s0 =	sand.u32 $0x1, s1  }
0x8c: {  	s14 =	sshll.u32 s0, $0xA;
	s2 =	sadd.s32 s3, s2  }
0x8d: {  	s2 =	sadd.s32 s2, s14  }
0x8e: {  	[smem:$0x3FC3] =	sst s2  }
0x8f: {  	_ = 	snop  }
0x90: {  	s2 =	sld [smem:$0x3FD0];
	_ =	sdelay $0x2  }
0x91: {  	s15 =	simm.s32 $0xA;
	s4 =	simm.s32 $0x10  }
0x92: {  	[smem:s4], [sflag:s15] =	dma.local [hbm:s2], $0x1  }
0x93: {  	_ =	swait.eq [sflag:s15], $0x1  }
0x94: {  	[sflag:s15] =	ssyncset.done $0x0  }
0x95: {  	[sflag:s15] =	ssyncadd.s32 $0xFFFFFFFF  }
0x96: {  	s16 =	sld [smem:$0x10];
	(tm) =	ssettm $0x1  }
0x97: {  	s17 =	sld [smem:$0x3FFB];
	_ =	sdelay $0x3  }
0x98: {  	_ =	strace s17  }
0x99: {  	s3 =	sld [smem:$0x3FFC];
	_ =	sdelay $0x3  }
0x9a: {  	_ =	strace s3  }
0x9b: {  	s3 =	sld [smem:$0x3FFD];
	_ =	sdelay $0x3  }
0x9c: {  	_ =	strace s3  }
0x9d: {  	_ =	strace $0x8FFFFFFF  }
0x9e: {  	s18 =	sld [smem:$0x3FDB];
	_ =	sdelay $0x1  }
0x9f: {  	s19 =	simm.s32 $_scs_section_size  }
0xa0: {  	s5 =	simm.s32 $_size__tile_overlayer_lowered;
	s6 =	simm.s32 $_tile_overlayer_lowered  }
0xa1: {  	s22 =	simm.s32 $0x1BFF;
	s21 =	sshll.u32 s6, $0x1;
	s3 =	sadd.s32 s19, s18  }
0xa2: {  	s7 =	simm.s32 $0x0;
	s20 =	sshll.u32 s5, $0x1;
	s5 =	sadd.s32 s21, s3  }
0xa3: {  	[timem:s7], [sflag:s22] =	dma.local [hbm:s5], s20  }
0xa4: {  	_ =	swait.ge [sflag:s22], s20  }
0xa5: {  	s4 =	ssub.s32 $0x0, s20;
	[sflag:s22] =	ssyncset.done $0x0  }
0xa6: {  	[sflag:s22] =	ssyncadd.s32 s4;
	_ =	sdelay $0x1  }
0xa7: {  	s23 =	simm.s32 $0x1B8B  }
0xa8: {  	_ =	swait.ge [sflag:s23], $0x1  }
0xa9: {  	[sflag:s23] =	ssyncset.done $0x0  }
0xaa: {  	s25 =	simm.s32 $0x1B8E;
	s24 =	sld [smem:$0x3FFE];
	[sflag:s23] =	ssyncadd.s32 $0xFFFFFFFF  }
0xab: {  	s26 =	simm.s32 $execute0_lowered;
	[smem:$0x3FD2] =	sst s25  }
0xac: {  	s5 =	sshll.u32 s26, $0x1;
	_ =	strace $0x80000049;
	[dreg:$0x1] =	wrdreg $0xFFFFFFFF  }
0xad: {  	s28 =	simm.s32 $_size_execute0_lowered;
	s3 =	sadd.s32 s3, s5;
	[dreg:$0x0] =	wrdreg $0x0  }
0xae: {  	s5 =	sshll.u32 s28, $0x1;
	[dreg:$0x2] =	wrdreg s3  }
0xaf: {  	[dreg:$0x3] =	wrdreg s5  }
0xb0: {  	[dreg:$0x4] =	wrdreg $0xC0  }
0xb1: {  	_ =	task [dreg:s7], $0x5FFFF  }
0xb2: {  	[dreg:$0x1] =	wrdreg $0xFFFFFFFF  }
0xb3: {  	[dreg:$0x0] =	wrdreg $0x60  }
0xb4: {  	[dreg:$0x2] =	wrdreg s24  }
0xb5: {  	[dreg:$0x3] =	wrdreg s16  }
0xb6: {  	[dreg:$0x4] =	wrdreg $0x9  }
0xb7: {  	_ =	task.clear_ibuf [dreg:s7], $0x5FFFF;
	_ =	strace $0x90000049  }
0xb8: {  	s29 =	simm.s32 $0x9;
	_ =	strace $0x8000004B  }
0xb9: {  	_ =	swait.ge [sflag:s29], $0x1  }
0xba: {  	[sflag:s29] =	ssyncadd.s32 $0xFFFFFFFF  }
0xbb: {  	_ =	strace $0x9000004B  }
0xbc: {  	_ =	sfence  }
0xbd: {  	s30 =	sld [smem:$0x0];
	_ =	sdelay $0x2  }
0xbe: {  	s31 =	sshll.u32 s1, $0xD;
	s1 =	sshrl.u32 s1, $0x2  }
0xbf: {  	s3 =	sand.u32 $0x4000, s31;
	s1 =	sadd.s32 s1, s30  }
0xc0: {  	s0 =	sor.u32 s3, s0;
	s1 =	sshll.u32 s1, $0x11  }
0xc1: {  	s0 =	sor.u32 s1, s0  }
0xc2: {  	s0 =	sadd.s32 $0x8F2B, s0  }
0xc3: {  	[sflag:s0] =	ssyncadd.remote.s32 $0x1  }
0xc4: {  	_ =	sfence.sel $0xFFFF  }
0xc5: {  	[dreg:$0x0] =	wrdreg $0xFFFFFFFF;
	(pc) =	sbr.abs _section_cstart, $3  }
0xc6: {  	[dreg:$0x1] =	wrdreg $0xFFFFFFFF  }
0xc7: {  	_ =	task.clear_ibuf [dreg:s7], $0x2FFFF;
	_ =	strace $0x9FFFFFFF  }
0xc8: {  	(tm) =	ssettm $0x7FFFFFFF  }
0xc9: {  	_ =	shalt  }
tec
execute0_lowered:
.L_overlay_start_1:
0x0: {  	(tag) =	ssettag $0x1  }
0x1: {  	s0 =	srdreg.scid  }
0x2: {  	s2 =	stileid.u32;
	s4 =	rddreg [dreg:$0x0];
	s5 =	simm.s32 $0x1  }
0x3: {  	s8 =	rddreg [dreg:$0x1];
	s11 =	simm.s32 $0x0;
	s13 =	simm.s32 $0x48  }
0x4: {  	s14 =	simm.s32 $0x9;
	s0 =	sand.u32 $0x1, s0;
	s3 =	sand.u32 $0x7, s2  }
0x5: {  	[smem:$0x7FF] =	sst s11;
	s15 =	sadd.s32 $0x28E00, s4;
	s6 =	sadd.s32 $0xE00, s4  }
0x6: {  	s7 =	sadd.s32 $0x29000, s4;
	s1 =	sshll.u32 s0, $0x4;
	p1 =	sne.s32 s3, $0x0  }
0x7: {  	_ =	strace $0x8000004A;
	[dreg:$0x4] =	wrdreg s15;
	s1 =	sor.u32 s2, s1  }
0x8: {  	s0 =	ssub.s32 $0x2, s0;
	s16 =	smul.u32 $0x4F0, s3;
	p0 =	seq.s32 s1, $0x0  }
0x9: {  	s9 =	sshrl.u32 s0, $0x1;
	s1 =	sshrl.u32 s1, $0x3;
	p0 =	por !p1, !p0  }
0xa: {  	s0 =	ssub.s32 s0, s9;
	s19 =	sadd.s32 $0x480, s16;
	p0 =	por !p0, !p0  }
0xb: {  	[dreg:$0x9] =	wrdreg s19;
	s0 =	smax.u32 s0, $0x1;
	s5 =	simm.s32 @!p0 $0x0  }
0xc: {  	s2 =	simm.s32 $0x0;
	[dreg:$0x10] =	wrdreg s0;
	s12 =	ssub.s32 s1, s5  }
0xd: {  	p0 =	seq.s32 s3, $0x7;
	s5 =	simm.s32 $0x1;
	s1 =	smul.u32 $0x2710, s12  }
0xe: {  	s13 =	simm.s32 @!p0 $0x4F;
	s14 =	simm.s32 @!p0 $0xA;
	[dreg:$0x3] =	wrdreg s12  }
0xf: {  	s17 =	smul.u32 $0x7530, s12;
	[dreg:$0x7] =	wrdreg s13;
	s1 =	sshrl.u32 s1, $0x3  }
0x10: {  	[dreg:$0x8] =	wrdreg s14;
	s1 =	sadd.s32 s1, s4;
	s4 =	sadd.s32 $0x52400, s4  }
0x11: {  	s18 =	sshll.u32 s12, $0x8;
	[dreg:$0x5] =	wrdreg s4;
	s1 =	sadd.s32 $0x51000, s1  }
0x12: {  	s20 =	sshll.u32 s12, $0x4;
	[dreg:$0x6] =	wrdreg s1;
	s1 =	sadd.s32 s16, s17  }
0x13: {  	s4 =	sshrl.u32 s1, $0x3;
	s10 =	sadd.s32 $0x2710, s1;
	s12 =	sadd.s32 $0x4E20, s1  }
0x14: {  	v0 =	vlaneseq.u32;
	v6 =	vimm.s32 $0x0;
	vm0 =	vcmask $0x300;
	s26 =	sadd.s32 $0x480, s1;
	s28 =	sadd.s32 $0x2B90, s1;
	s1 =	sadd.s32 $0x52A0, s1  }
0x15: {  	vm1 =	vcmask $0x704;
	vm2 =	vcmask $0xB08;
	vm3 =	vcmask $0xF0C;
	s21 =	sadd.s32 s8, s4;
	s22 =	sshrl.u32 s10, $0x3;
	s23 =	sshrl.u32 s12, $0x3  }
0x16: {  	vm4 =	vcmask $0x1310;
	vm5 =	vcmask $0x1714;
	vm6 =	vcmask $0x1B18;
	s3 =	sshrl.u32 s26, $0x3;
	[dreg:$0xa] =	wrdreg s21;
	s24 =	sadd.s32 s8, s22  }
0x17: {  	vm7 =	vcmask $0x1F1C;
	vm8 =	vcmask $0x2320;
	vm9 =	vcmask $0x2724;
	s30 =	sshrl.u32 s28, $0x3;
	s25 =	sadd.s32 s8, s23;
	[dreg:$0xb] =	wrdreg s24  }
0x18: {  	vm10 =	vcmask $0x2B28;
	vm11 =	vcmask $0x2F2C;
	v0 =	vmul.u32 $0x10, v0;
	s1 =	sshrl.u32 s1, $0x3;
	s29 =	sadd.s32 s8, s3;
	[dreg:$0xc] =	wrdreg s25  }
0x19: {  	vm12 =	vcmask $0x3330;
	vm13 =	vcmask $0x3734;
	vm14 =	vcmask $0x3B38;
	s31 =	sadd.s32 s8, s30;
	s1 =	sadd.s32 s8, s1;
	[dreg:$0xd] =	wrdreg s29  }
0x1a: {  	v7 =	vimm.s32 $0x8;
	v3 =	vor.u32 $0x100, v0;
	v4 =	vor.u32 $0x200, v0;
	s8 =	simm.s32 $0x2;
	s22 =	simm.s32 $0x3B00;
	[dreg:$0xe] =	wrdreg s31  }
0x1b: {  	v5 =	vor.u32 $0x300, v0;
	v1 =	vor.u32 s18, v0;
	v2 =	vmov s20;
	s23 =	simm.s32 $0x400;
	[dreg:$0xf] =	wrdreg s1;
	s24 =	simm.s32 $0x80  }
.LBB2_1:
0x1c: {  	[dreg:$0x11] =	wrdreg s2  }
0x1d: {  	s0 =	rddreg [dreg:$0x4]  }
0x1e: {  	[tilespmem:s11], [sflag:$0x2] =	stream.linear.gather [hbm4b:s0+s11], $0x400, $0x38;
	[tilespmem:$0x4A80] =	vst v63  }
0x1f: {  	_ =	swait.ge [sflag:s8], $0x400  }
0x20: {  	[sflag:s8] =	ssyncset.done $0x0  }
0x21: {  	s1 =	simm.s32 $0x480;
	s25 =	rddreg [dreg:$0x6];
	[sflag:s8] =	ssyncadd.s32 $0xFFFFFC00  }
0x22: {  	[tilespmem:s1], [sflag:$0x2] =	stream.linear.gather [hbm4b:s25+s11], $0x2710, $0x38;
	[tilespmem:$0x4A80] =	vst v63  }
0x23: {  	_ =	swait.ge [sflag:s8], $0x2710  }
0x24: {  	[sflag:s8] =	ssyncset.done $0x0  }
0x25: {  	s26 =	rddreg [dreg:$0x5];
	[sflag:s8] =	ssyncadd.s32 $0xFFFFD8F0  }
0x26: {  	[tilespmem:s22], [sflag:$0x2] =	stream.linear.gather [hbm4b:s26+s11], $0x80, $0x38;
	[tilespmem:$0x4A80] =	vst v63  }
0x27: {  	_ =	swait.ge [sflag:s8], $0x80  }
0x28: {  	[sflag:s8] =	ssyncset.done $0x0  }
0x29: {  	[sflag:s8] =	ssyncadd.s32 $0xFFFFFF80  }
0x2a: {  	v8 =	vld.idx.msk [tilespmem:v1+s11+$0x0], $0xffff;
	_ =	sdelay $0x4  }
0x2b: {  	(xrf0) =	vadd.scan.msk.s32 $0xffff, v8;
	_ =	sdelay $0x5  }
0x2c: {  	v9, _, _ =	vpop (xrf0)  }
0x2d: {  	v8 =	vsub.s32 v9, v8  }
0x2e: {  	[tilespmem:$0x400] =	vst v8  }
0x2f: {  	v8 =	vld.idx.msk [tilespmem:v0+s11+$0x0], $0xffff  }
0x30: {  	v10 =	vld.idx.msk [tilespmem:v3+s11+$0x0], $0xffff  }
0x31: {  	v11 =	vld.idx.msk [tilespmem:v4+s11+$0x0], $0xffff;
	_ =	sdelay $0x2  }
0x32: {  	(xrf0) =	vadd.scan.msk.s32 $0xffff, v8  }
0x33: {  	(xrf0) =	vadd.scan.msk.s32 $0xffff, v10  }
0x34: {  	(xrf0) =	vadd.scan.msk.s32 $0xffff, v11;
	_ =	sdelay $0x3  }
0x35: {  	(v2sf) =	vpush v9, $0xF;
	v8, _, _ =	vpop (xrf0)  }
0x36: {  	v9, _, _ =	vpop (xrf0);
	(v2sf) =	vpush v8, $0xF  }
0x37: {  	(v2sf) =	vpush v9, $0xF;
	v8, _, _ =	vpop (xrf0)  }
0x38: {  	(v2sf) =	vpush v8, $0xF;
	_ =	sdelay $0xb  }
0x39: {  	s0 =	spop (v2sf)  }
0x3a: {  	s28 =	spop (v2sf)  }
0x3b: {  	s3 =	spop (v2sf)  }
0x3c: {  	s4 =	spop (v2sf)  }
0x3d: {  	s2 =	simm.s32 $0x2;
	p1 =	sgt.s32 s4, $0x0  }
0x3e: {  	p2 =	sgt.s32 s3, $0x0;
	s2 =	simm.s32 @!p1 $0x3  }
0x3f: {  	p3 =	sgt.s32 s28, $0x0;
	s2 =	simm.s32 @p2 $0x1  }
0x40: {  	s2 =	simm.s32 @p3 $0x0  }
0x41: {  	s29 =	sshll.u32 s2, $0x8  }
0x42: {  	v8 =	vor.u32 s29, v0;
	_ =	sdelay $0x4  }
0x43: {  	v8 =	vld.idx.msk [tilespmem:v8+s11+$0x0], $0xffff;
	_ =	sdelay $0x4  }
0x44: {  	(xrf0) =	vadd.scan.msk.s32 $0xffff, v8;
	_ =	sdelay $0x5  }
0x45: {  	v8, _, _ =	vpop (xrf0)  }
0x46: {  	vm15 =	veq.s32 v8, $0x0  }
0x47: {  	v8 =	vmpcnt.ones.xlane vm15;
	_ =	sdelay $0x1  }
0x48: {  	(v2sf) =	vpush v8, $0x0;
	_ =	sdelay $0xe  }
0x49: {  	s1 =	spop (v2sf)  }
0x4a: {  	p4 =	slt.s32 s1, $0xF  }
0x4b: {  	s30 =	sshll.u32 s2, $0x4;
	s1 =	simm.s32 @!p4 $0xF  }
0x4c: {  	s1 =	sadd.s32 s1, s30  }
0x4d: {  	s31 =	simm.s32 $0x2C00;
	p5 =	sgt.s32 s0, $0x1;
	s1 =	smul.u32 $0x5000, s1  }
0x4e: {  	s12 =	rddreg [dreg:$0x9];
	v8 =	vld.idx.msk [tilespmem:v5+s11+$0x0], $0xffff;
	[tilespmem:$0x3080] =	vst v6;
	p4 =	sgt.s32 s0, $0x0;
	s0 =	simm.s32 @!p5 $0x1  }
0x4f: {  	s10 =	smov.u32 s13;
	[dreg:$0x12] =	wrdreg s2;
	[tilespmem:$0x30F0] =	vst v6;
	v9 =	vmov s0;
	s0 =	simm.s32 $0x2C00;
	v10 =	vmov s1  }
.LBB2_2:
0x50: {  	v11 =	vld [tilespmem:s12+$0x0];
	_ =	sdelay $0x4  }
0x51: {  	v11 =	vtrunc.f32 v11  }
0x52: {  	v11 =	vcvt.f32.s32 v11  }
0x53: {  	(v2sf) =	vpush v9, $0x0  }
0x54: {  	(v2sf) =	vpush v11, $0x0  }
0x55: {  	(v2sf) =	vpush v9, $0xF  }
0x56: {  	(v2sf) =	vpush v11, $0xF;
	_ =	sdelay $0x1  }
0x57: {  	(v2sf) =	vpush v9, $0x1  }
0x58: {  	(v2sf) =	vpush v11, $0x1  }
0x59: {  	(v2sf) =	vpush v9, $0x2  }
0x5a: {  	(v2sf) =	vpush v11, $0x2  }
0x5b: {  	(v2sf) =	vpush v9, $0x3  }
0x5c: {  	(v2sf) =	vpush v11, $0x3  }
0x5d: {  	(v2sf) =	vpush v9, $0x4  }
0x5e: {  	(v2sf) =	vpush v11, $0x4  }
0x5f: {  	(v2sf) =	vpush v9, $0x5  }
0x60: {  	(v2sf) =	vpush v11, $0x5  }
0x61: {  	s1 =	spop (v2sf);
	(v2sf) =	vpush v9, $0x6  }
0x62: {  	s3 =	spop (v2sf);
	(v2sf) =	vpush v11, $0x6  }
0x63: {  	s4 =	spop (v2sf);
	(v2sf) =	vpush v9, $0x7  }
0x64: {  	s8 =	spop (v2sf);
	(v2sf) =	vpush v11, $0x7;
	_ =	sdelay $0x1  }
0x65: {  	s19 =	sshra.s32 s1, $0x1F;
	s9 =	spop (v2sf)  }
0x66: {  	s1 =	sxor.u32 s19, s1;
	s25 =	sshra.s32 s3, $0x1F;
	s13 =	spop (v2sf)  }
0x67: {  	s1 =	ssub.s32 s1, s19;
	s3 =	sxor.u32 s25, s3;
	s14 =	spop (v2sf)  }
0x68: {  	s26 =	sshra.s32 s4, $0x1F;
	s3 =	ssub.s32 s3, s25;
	s15 =	spop (v2sf)  }
0x69: {  	(v2sf) =	vpush v9, $0x8;
	s4 =	sxor.u32 s26, s4;
	s28 =	sshra.s32 s8, $0x1F;
	s16 =	spop (v2sf)  }
0x6a: {  	(v2sf) =	vpush v11, $0x8;
	(drf) =	srem.u32 s3, s1;
	s30 =	ssub.s32 s4, s26;
	s17 =	spop (v2sf)  }
0x6b: {  	s4 =	sxor.u32 s28, s8;
	s8 =	sshra.s32 s9, $0x1F;
	(v2sf) =	vpush v9, $0x9;
	s18 =	spop (v2sf)  }
0x6c: {  	s3 =	ssub.s32 s4, s28;
	s9 =	sxor.u32 s8, s9;
	s21 =	spop (v2sf)  }
0x6d: {  	s26 =	sshra.s32 s13, $0x1F;
	(drf) =	srem.u32 s3, s30;
	s2 =	spop (v2sf)  }
0x6e: {  	s20 =	ssub.s32 s9, s8;
	s29 =	sxor.u32 s26, s13;
	s11 =	spop (v2sf)  }
0x6f: {  	s30 =	sshra.s32 s14, $0x1F;
	s3 =	ssub.s32 s29, s26;
	s19 =	spop (v2sf);
	(v2sf) =	vpush v11, $0x9  }
0x70: {  	s9 =	sxor.u32 s30, s14;
	s4 =	sshra.s32 s15, $0x1F;
	s29 =	spop (v2sf);
	(v2sf) =	vpush v9, $0xA  }
0x71: {  	(drf) =	srem.u32 s3, s20;
	s13 =	sxor.u32 s4, s15;
	s15 =	spop (v2sf);
	(v2sf) =	vpush v11, $0xA  }
0x72: {  	s1 =	ssub.s32 s9, s30;
	s14 =	sshra.s32 s16, $0x1F;
	s20 =	spop (v2sf);
	(v2sf) =	vpush v9, $0xB  }
0x73: {  	s3 =	ssub.s32 s13, s4;
	s30 =	sxor.u32 s14, s16;
	s8 =	sshra.s32 s17, $0x1F  }
0x74: {  	(drf) =	srem.u32 s3, s1;
	s1 =	ssub.s32 s30, s14;
	s13 =	sxor.u32 s8, s17  }
0x75: {  	s14 =	sshra.s32 s18, $0x1F;
	s3 =	ssub.s32 s13, s8;
	s9 =	sshra.s32 s21, $0x1F  }
0x76: {  	s17 =	sxor.u32 s14, s18;
	s30 =	sxor.u32 s9, s21;
	(drf) =	srem.u32 s3, s1  }
0x77: {  	s14 =	ssub.s32 s17, s14;
	s21 =	ssub.s32 s30, s9;
	s30 =	sshra.s32 s2, $0x1F  }
0x78: {  	s13 =	sshra.s32 s11, $0x1F;
	(drf) =	srem.u32 s21, s14;
	s16 =	spop (v2sf);
	(v2sf) =	vpush v11, $0xB  }
0x79: {  	s3 =	sxor.u32 s30, s2;
	s11 =	sxor.u32 s13, s11;
	s18 =	spop (v2sf);
	(v2sf) =	vpush v9, $0xC  }
0x7a: {  	s21 =	sshra.s32 s19, $0x1F;
	s14 =	ssub.s32 s3, s30;
	s17 =	spop (v2sf);
	(v2sf) =	vpush v11, $0xC  }
0x7b: {  	s2 =	ssub.s32 s11, s13;
	s30 =	sxor.u32 s21, s19;
	s1 =	sshra.s32 s29, $0x1F  }
0x7c: {  	(drf) =	srem.u32 s2, s14;
	s11 =	ssub.s32 s30, s21;
	s29 =	sxor.u32 s1, s29  }
0x7d: {  	s30 =	sshra.s32 s15, $0x1F;
	s3 =	ssub.s32 s29, s1;
	s14 =	sshra.s32 s20, $0x1F  }
0x7e: {  	s15 =	sxor.u32 s30, s15;
	s20 =	sxor.u32 s14, s20;
	s19 =	spop (v2sf);
	(v2sf) =	vpush v9, $0xD  }
0x7f: {  	(drf) =	srem.u32 s3, s11;
	s29 =	ssub.s32 s15, s30;
	s21 =	spop (v2sf);
	(v2sf) =	vpush v11, $0xD  }
0x80: {  	s11 =	sshra.s32 s16, $0x1F;
	s30 =	ssub.s32 s20, s14;
	s3 =	spop (v2sf);
	(v2sf) =	vpush v9, $0xE  }
0x81: {  	s16 =	sxor.u32 s11, s16;
	s15 =	sshra.s32 s18, $0x1F;
	s20 =	spop (v2sf);
	(v2sf) =	vpush v11, $0xE  }
0x82: {  	(drf) =	srem.u32 s30, s29;
	s2 =	ssub.s32 s16, s11;
	s30 =	sxor.u32 s15, s18  }
0x83: {  	s18 =	sshra.s32 s17, $0x1F;
	s11 =	ssub.s32 s30, s15;
	s16 =	sshra.s32 s19, $0x1F  }
0x84: {  	(drf) =	srem.u32 s11, s2;
	s11 =	sxor.u32 s18, s17;
	s17 =	sxor.u32 s16, s19  }
0x85: {  	s2 =	ssub.s32 s11, s18;
	s11 =	ssub.s32 s17, s16;
	s18 =	sshra.s32 s21, $0x1F  }
0x86: {  	(drf) =	srem.u32 s11, s2;
	s17 =	sshra.s32 s3, $0x1F;
	s19 =	sxor.u32 s18, s21  }
0x87: {  	s29 =	spop (v2sf);
	s3 =	sxor.u32 s17, s3;
	s2 =	ssub.s32 s19, s18  }
0x88: {  	s19 =	sshra.s32 s20, $0x1F;
	s30 =	spop (v2sf);
	s3 =	ssub.s32 s3, s17  }
0x89: {  	s21 =	sxor.u32 s19, s20;
	s18 =	sshra.s32 s29, $0x1F;
	s11 =	spop (v2sf)  }
0x8a: {  	(drf) =	srem.u32 s3, s2;
	s2 =	ssub.s32 s21, s19;
	s29 =	sxor.u32 s18, s29  }
0x8b: {  	s21 =	sshra.s32 s30, $0x1F;
	s3 =	ssub.s32 s29, s18;
	s19 =	sshra.s32 s11, $0x1F  }
0x8c: {  	(drf) =	srem.u32 s3, s2;
	s3 =	sxor.u32 s21, s30;
	s29 =	sxor.u32 s19, s11  }
0x8d: {  	s2 =	ssub.s32 s3, s21;
	s3 =	ssub.s32 s29, s19;
	s20 =	spop (v2sf)  }
0x8e: {  	(drf) =	srem.u32 s3, s2;
	s21 =	sshra.s32 s20, $0x1F;
	s30 =	spop (v2sf)  }
0x8f: {  	s20 =	sxor.u32 s21, s20;
	s3 =	sshra.s32 s30, $0x1F;
	s29 =	spop (v2sf)  }
0x90: {  	s2 =	ssub.s32 s20, s21;
	s11 =	sxor.u32 s3, s30;
	s20 =	spop (v2sf)  }
0x91: {  	s30 =	sshra.s32 s29, $0x1F;
	s11 =	ssub.s32 s11, s3;
	s21 =	sshra.s32 s20, $0x1F  }
0x92: {  	s29 =	sxor.u32 s30, s29;
	(drf) =	srem.u32 s11, s2;
	s11 =	spop (drf)  }
0x93: {  	s20 =	sxor.u32 s21, s20;
	s2 =	ssub.s32 s29, s30;
	s30 =	spop (drf)  }
0x94: {  	s20 =	ssub.s32 s20, s21;
	s11 =	sxor.u32 s25, s11;
	s29 =	sxor.u32 s28, s30  }
0x95: {  	(drf) =	srem.u32 s20, s2;
	s30 =	spop (drf);
	s2 =	ssub.s32 s29, s28  }
0x96: {  	s11 =	ssub.s32 s11, s25;
	s25 =	spop (drf);
	s20 =	sxor.u32 s26, s30;
	v11 =	vmov s2  }
0x97: {  	s26 =	ssub.s32 s20, s26;
	s28 =	spop (drf);
	s2 =	sxor.u32 s4, s25;
	v11 =	vsel vm0, s11, v11  }
0x98: {  	s2 =	ssub.s32 s2, s4;
	s29 =	spop (drf);
	s30 =	sxor.u32 s8, s28;
	v11 =	vsel vm1, s26, v11  }
0x99: {  	s8 =	ssub.s32 s30, s8;
	s11 =	spop (drf);
	s4 =	sxor.u32 s9, s29;
	v11 =	vsel vm2, s2, v11  }
0x9a: {  	s20 =	ssub.s32 s4, s9;
	s25 =	spop (drf);
	v11 =	vsel vm3, s8, v11;
	s8 =	sxor.u32 s13, s11  }
0x9b: {  	s28 =	spop (drf);
	s4 =	sxor.u32 s1, s25;
	v11 =	vsel vm4, s20, v11;
	s26 =	ssub.s32 s8, s13  }
0x9c: {  	s1 =	ssub.s32 s4, s1;
	s29 =	spop (drf);
	s30 =	sxor.u32 s14, s28;
	v11 =	vsel vm5, s26, v11  }
0x9d: {  	s4 =	ssub.s32 s30, s14;
	s8 =	spop (drf);
	s2 =	sxor.u32 s15, s29;
	v11 =	vsel vm6, s1, v11  }
0x9e: {  	s9 =	ssub.s32 s2, s15;
	s11 =	spop (drf);
	v11 =	vsel vm7, s4, v11;
	s4 =	sxor.u32 s16, s8  }
0x9f: {  	s14 =	spop (drf);
	s2 =	sxor.u32 s17, s11;
	v11 =	vsel vm8, s9, v11;
	s13 =	ssub.s32 s4, s16  }
0xa0: {  	s15 =	ssub.s32 s2, s17;
	s16 =	spop (drf);
	s4 =	sxor.u32 s18, s14;
	v11 =	vsel vm9, s13, v11  }
0xa1: {  	s17 =	ssub.s32 s4, s18;
	s18 =	spop (drf);
	s2 =	sxor.u32 s19, s16;
	v11 =	vsel vm10, s15, v11  }
0xa2: {  	s20 =	ssub.s32 s2, s19;
	s25 =	sxor.u32 s3, s18;
	s26 =	spop (drf);
	v11 =	vsel vm11, s17, v11  }
0xa3: {  	s28 =	ssub.s32 s25, s3;
	s29 =	sxor.u32 s21, s26;
	v11 =	vsel vm12, s20, v11  }
0xa4: {  	v12 =	vld.idx.msk [tilespmem:v7+s23+$0x0], $0xffff;
	s30 =	ssub.s32 s29, s21;
	v11 =	vsel vm13, s28, v11  }
0xa5: {  	v11 =	vsel vm14, s30, v11  }
0xa6: {  	v13 =	vshra.s32 v11, $0x1F  }
0xa7: {  	v13 =	vand.u32 v9, v13  }
0xa8: {  	v11 =	vadd.s32 v11, v13  }
0xa9: {  	vm15 =	vlt.s32 v11, v12  }
0xaa: {  	v12 =	vsel vm15, $0x0, v7  }
0xab: {  	v61 =	vor.u32 $0x4, v12;
	_ =	sdelay $0x4  }
0xac: {  	v14 =	vld.idx.msk [tilespmem:v61+s23+$0x0], $0xffff;
	_ =	sdelay $0x4  }
0xad: {  	vm15 =	vlt.s32 v11, v14  }
0xae: {  	v12 =	vsel vm15, v12, v61  }
0xaf: {  	v13 =	vor.u32 $0x2, v12;
	_ =	sdelay $0x4  }
0xb0: {  	v62 =	vld.idx.msk [tilespmem:v13+s23+$0x0], $0xffff;
	_ =	sdelay $0x4  }
0xb1: {  	vm15 =	vlt.s32 v11, v62  }
0xb2: {  	v12 =	vsel vm15, v12, v13  }
0xb3: {  	v13 =	vor.u32 $0x1, v12;
	_ =	sdelay $0x4  }
0xb4: {  	v63 =	vld.idx.msk [tilespmem:v13+s23+$0x0], $0xffff;
	_ =	sdelay $0x4  }
0xb5: {  	vm15 =	vlt.s32 v11, v63  }
0xb6: {  	v12 =	vsel vm15, v12, v13;
	_ =	sdelay $0x4  }
0xb7: {  	v13 =	vld.idx.msk [tilespmem:v12+s23+$0x0], $0xffff;
	_ =	sdelay $0x2  }
0xb8: {  	p5 =	sne.s32 s10, $0x1;
	v12 =	vadd.s32 v2, v12  }
.Ltmp0:
0xb9: {  	v12 =	vmul.u32 $0x5000, v12;
	(pc) =	sbr.rel @p5 .LBB2_2-.Ltmp0, $4  }
0xba: {  	v11 =	vsub.s32 v11, v13  }
0xbb: {  	v11 =	vadd.s32 v12, v11  }
0xbc: {  	v11 =	vpsel p4, v11, v10  }
0xbd: {  	s12 =	sadd.s32 $0x10, s12;
	s10 =	sadd.s32 $0xFFFFFFFF, s10;
	[tilespmem:s0+$0x0] =	vst v11;
	s0 =	sadd.s32 $0x10, s0  }
0xbe: {  	s14 =	rddreg [dreg:$0x8]  }
0xbf: {  	p5 =	sne.s32 s14, $0x1  }
.Ltmp1:
0xc0: {  	_ = 	snop;
	(pc) =	sbr.rel @!p5 .LBB2_5-.Ltmp1, $4  }
0xc1: {  	_ = 	snop  }
0xc2: {  	s0 =	simm.s32 $0x3100  }
0xc3: {  	[tilespmem:s0], [sflag:$0x1] =	stream.indirect.gather [hbm4b:s6+s24], $0x1, s31, s24, $0xb8;
	[tilespmem:$0x4A80] =	vst v63  }
0xc4: {  	s1 =	sadd.s32 $0xFFFFFFFF, s14  }
.LBB2_4:
0xc5: {  	p6 =	sne.s32 s1, $0x1  }
.Ltmp2:
0xc6: {  	_ = 	snop;
	(pc) =	sbr.rel @p6 .LBB2_4-.Ltmp2, $4  }
0xc7: {  	_ = 	snop  }
0xc8: {  	s0 =	sadd.s32 $0x80, s0;
	s31 =	sadd.s32 $0x80, s31  }
0xc9: {  	s1 =	sadd.s32 $0xFFFFFFFF, s1  }
0xca: {  	[tilespmem:s0], [sflag:$0x1] =	stream.indirect.gather [hbm4b:s6+s24], $0x1, s31, s24, $0xb8;
	[tilespmem:$0x4A80] =	vst v63  }
.LBB2_5:
.Ltmp3:
0xcb: {  	(pc) =	sbr.rel @!p5 .LBB2_7-.Ltmp3, $3  }
0xcc: {  	_ =	sdelay $0x1  }
0xcd: {  	_ =	swait.ge [sflag:s5], $0x80  }
0xce: {  	s0 =	sadd.s32 $0xFFFFFFFF, s14;
	[sflag:s5] =	ssyncset.done $0x0;
	s13 =	rddreg [dreg:$0x7]  }
.LBB2_6:
0xcf: {  	p5 =	sne.s32 s0, $0x1;
	s0 =	sadd.s32 $0xFFFFFFFF, s0;
	[sflag:s5] =	ssyncadd.s32 $0xFFFFFF80  }
.Ltmp4:
0xd0: {  	(pc) =	sbr.rel @p5 .LBB2_6-.Ltmp4, $3  }
0xd1: {  	_ =	sdelay $0x1  }
0xd2: {  	_ =	swait.ge [sflag:s5], $0x80  }
0xd3: {  	[sflag:s5] =	ssyncset.done $0x0  }
.LBB2_7:
0xd4: {  	s0 =	rddreg [dreg:$0x3]  }
0xd5: {  	s1 =	rddreg [dreg:$0x12]  }
0xd6: {  	s1 =	smov.u32 @p4 s0;
	p4 =	sne.s32 s13, $0x1  }
.Ltmp5:
0xd7: {  	_ = 	snop;
	(pc) =	sbr.rel @!p4 .LBB2_8-.Ltmp5, $4  }
0xd8: {  	_ = 	snop  }
0xd9: {  	[sflag:s5] =	ssyncadd.s32 $0xFFFFFF80;
	s0 =	smul.u32 $0x50000, s1  }
0xda: {  	s31 =	simm.s32 $0x3100;
	s30 =	sadd.s32 $0xFFFFFFFF, s13;
	p5 =	por $0x0, $0x0  }
0xdb: {  	s11 =	simm.s32 $0x0;
	s8 =	simm.s32 $0x2;
	v10 =	vld [tilespmem:s31+$0x0];
	v9 =	vmov s0;
	s0 =	simm.s32 $0x2C00  }
0xdc: {  	_ =	sdelay $0x3  }
0xdd: {  	p6 =	sne.s32 s30, $0x1;
	v10 =	vadd.s32 v9, v10  }
.Ltmp6:
0xde: {  	vm15 =	vgt.s32 v10, $0x0;
	(pc) =	sbr.rel @!p6 .LBB2_10-.Ltmp6, $4  }
0xdf: {  	v10 =	vnsel vm15, $0x0, v10  }
0xe0: {  	v10 =	vmin.u32 v10, $0x13FFFF  }
0xe1: {  	s3 =	simm.s32 $0x3110;
	[tilespmem:s0+$0x0] =	vst v10  }
0xe2: {  	s4 =	sadd.s32 $0xFFFFFFFF, s30;
	p5 =	por $0x1, $0x1;
	s1 =	simm.s32 $0x2C00;
	v10 =	vld [tilespmem:s3+$0x0]  }
.LBB2_11:
0xe3: {  	p6 =	sne.s32 s4, $0x1;
	_ =	sdelay $0x3  }
0xe4: {  	v10 =	vadd.s32 v9, v10  }
.Ltmp7:
0xe5: {  	vm15 =	vgt.s32 v10, $0x0;
	(pc) =	sbr.rel @p6 .LBB2_11-.Ltmp7, $4  }
0xe6: {  	v10 =	vnsel vm15, $0x0, v10  }
0xe7: {  	s1 =	sadd.s32 $0x10, s1;
	v10 =	vmin.u32 v10, $0x13FFFF  }
0xe8: {  	s3 =	sadd.s32 $0x10, s3;
	[tilespmem:s1+$0x0] =	vst v10  }
0xe9: {  	s4 =	sadd.s32 $0xFFFFFFFF, s4;
	v10 =	vld [tilespmem:s3+$0x0]  }
.LBB2_12:
0xea: {  	_ =	sdelay $0x2  }
0xeb: {  	s1 =	sadd.s32 @p5 $0x10, s1;
	s2 =	simm.s32 $0x2C00  }
0xec: {  	s2 =	smov.u32 @p5 s1;
	p5 =	seq.s32 s14, $0x1;
	v9 =	vadd.s32 v9, v10  }
.Ltmp8:
0xed: {  	vm15 =	vgt.s32 v9, $0x0;
	(pc) =	sbr.rel @p5 .LBB2_14-.Ltmp8, $4  }
0xee: {  	v9 =	vnsel vm15, $0x0, v9  }
0xef: {  	v9 =	vmin.u32 v9, $0x13FFFF  }
0xf0: {  	s3 =	sadd.s32 $0xFFFFFFFF, s14;
	s1 =	simm.s32 $0x3600;
	[tilespmem:s2+$0x0] =	vst v9  }
0xf1: {  	[tilespmem:s1], [sflag:$0x1] =	stream.indirect.gather [hbm4b:s7+s24], $0x1, s0, s24, $0xb8;
	[tilespmem:$0x4A80] =	vst v63  }
.LBB2_13:
0xf2: {  	p6 =	seq.s32 s3, $0x1  }
.Ltmp9:
0xf3: {  	_ = 	snop;
	(pc) =	sbr.rel @!p6 .LBB2_13-.Ltmp9, $4  }
0xf4: {  	_ = 	snop  }
0xf5: {  	s1 =	sadd.s32 $0x80, s1;
	s0 =	sadd.s32 $0x80, s0  }
0xf6: {  	s3 =	sadd.s32 $0xFFFFFFFF, s3  }
0xf7: {  	[tilespmem:s1], [sflag:$0x1] =	stream.indirect.gather [hbm4b:s7+s24], $0x1, s0, s24, $0xb8;
	[tilespmem:$0x4A80] =	vst v63  }
.LBB2_14:
.Ltmp10:
0xf8: {  	(pc) =	sbr.rel @p5 .LBB2_16-.Ltmp10, $3  }
0xf9: {  	_ =	sdelay $0x1  }
0xfa: {  	_ =	swait.ge [sflag:s5], $0x80  }
0xfb: {  	s0 =	sadd.s32 $0xFFFFFFFF, s14;
	[sflag:s5] =	ssyncset.done $0x0  }
.LBB2_15:
0xfc: {  	p5 =	seq.s32 s0, $0x1;
	s0 =	sadd.s32 $0xFFFFFFFF, s0;
	[sflag:s5] =	ssyncadd.s32 $0xFFFFFF80  }
.Ltmp11:
0xfd: {  	(pc) =	sbr.rel @!p5 .LBB2_15-.Ltmp11, $3  }
0xfe: {  	_ =	sdelay $0x1  }
0xff: {  	_ =	swait.ge [sflag:s5], $0x80  }
0x100: {  	[sflag:s5] =	ssyncset.done $0x0  }
.LBB2_16:
0x101: {  	(xrf0) =	vadd.scan.msk.s32 $0xffff, v8;
	_ =	sdelay $0x5  }
0x102: {  	v8, _, _ =	vpop (xrf0)  }
0x103: {  	(v2sf) =	vpush v8, $0xF;
	_ =	sdelay $0xe  }
0x104: {  	s0 =	spop (v2sf)  }
0x105: {  	p5 =	sgt.s32 s0, $0x0;
	s0 =	simm.f32 $1.000000000e+00  }
0x106: {  	s0 =	simm.s32 @!p5 $0x0  }
0x107: {  	s0 =	simm.s32 @p2 $0x3F800000  }
0x108: {  	s0 =	simm.s32 @p3 $0x3F800000  }
0x109: {  	s0 =	simm.s32 @p1 $0x3F800000  }
0x10a: {  	[sflag:s5] =	ssyncadd.s32 $0xFFFFFF80;
	v8 =	vmov s0;
	s0 =	simm.s32 $0x2C00  }
0x10b: {  	v9 =	vld [tilespmem:s0+$0x0];
	_ =	sdelay $0x4  }
0x10c: {  	vm15 =	vgt.s32 v9, $0x4FFFF;
	vm0 =	vgt.s32 v9, $0x9FFFF  }
0x10d: {  	vm1 =	vgt.s32 v9, $0xEFFFF;
	v10 =	vsel vm15, $0x1, v6;
	v11 =	vsel vm0, $0x1, v6  }
0x10e: {  	v12 =	vsel vm1, $0x1, v6;
	v10 =	vadd.s32 v11, v10  }
0x10f: {  	v10 =	vadd.s32 v12, v10  }
0x110: {  	v11 =	vshll.u32 v10, $0x4  }
0x111: {  	v51 =	vor.u32 $0x1, v11;
	_ =	sdelay $0x1  }
0x112: {  	s12 =	simm.s32 $0x3600;
	v10 =	vmul.u32 $0xFFFB0000, v10;
	v13 =	vor.u32 $0x2, v11  }
0x113: {  	v14 =	vld [tilespmem:s12+$0x0]  }
0x114: {  	v10 =	vadd.s32 v9, v10;
	v15 =	vld.idx.msk [tilespmem:v11+s22+$0x0], $0xffff  }
0x115: {  	v9 =	vand.u32 $0x3FF, v9;
	v10 =	vshrl.u32 v10, $0xA;
	v12 =	vld.idx.msk [tilespmem:v51+s22+$0x0], $0xffff  }
0x116: {  	v16 =	vor.u32 $0x3, v11;
	v9 =	vcvt.s32.f32 v9;
	v10 =	vcvt.s32.f32 v10  }
0x117: {  	v13 =	vld.idx.msk [tilespmem:v13+s22+$0x0], $0xffff  }
0x118: {  	v9 =	vmul.f32 v9, v14;
	v10 =	vmul.f32 v10, v14;
	_ =	sdelay $0x1  }
0x119: {  	v15 =	vmul.f32 v9, v15;
	v12 =	vmul.f32 v10, v12  }
0x11a: {  	v16 =	vld.idx.msk [tilespmem:v16+s22+$0x0], $0xffff  }
0x11b: {  	v13 =	vmul.f32 v13, v14;
	v12 =	vadd.f32 v12, v15;
	_ =	sdelay $0x1  }
0x11c: {  	v12 =	vadd.f32 v12, v13;
	_ =	sdelay $0x1  }
0x11d: {  	v52 =	vor.u32 $0x4, v11;
	v12 =	vadd.f32 v12, v16  }
0x11e: {  	v53 =	vor.u32 $0x5, v11  }
0x11f: {  	v12 =	vmul.f32 v12, v8  }
0x120: {  	s10 =	simm.s32 $0x4070;
	v54 =	vor.u32 $0x6, v11  }
0x121: {  	[tilespmem:s10+$0xFFFFFB10] =	vst v12  }
0x122: {  	v12 =	vld.idx.msk [tilespmem:v52+s22+$0x0], $0xffff  }
0x123: {  	v55 =	vld.idx.msk [tilespmem:v53+s22+$0x0], $0xffff  }
0x124: {  	v56 =	vor.u32 $0x7, v11  }
0x125: {  	v16 =	vld.idx.msk [tilespmem:v54+s22+$0x0], $0xffff;
	_ =	sdelay $0x2  }
0x126: {  	v12 =	vmul.f32 v12, v9;
	v13 =	vmul.f32 v10, v55  }
0x127: {  	v15 =	vld.idx.msk [tilespmem:v56+s22+$0x0], $0xffff  }
0x128: {  	v57 =	vmul.f32 v16, v14;
	v12 =	vadd.f32 v13, v12;
	_ =	sdelay $0x1  }
0x129: {  	v12 =	vadd.f32 v12, v57;
	_ =	sdelay $0x1  }
0x12a: {  	v58 =	vor.u32 $0x8, v11;
	v12 =	vadd.f32 v12, v15  }
0x12b: {  	v59 =	vor.u32 $0x9, v11  }
0x12c: {  	v12 =	vmul.f32 v12, v8  }
0x12d: {  	v60 =	vor.u32 $0xA, v11  }
0x12e: {  	[tilespmem:s10+$0x0] =	vst v12  }
0x12f: {  	v12 =	vld.idx.msk [tilespmem:v58+s22+$0x0], $0xffff  }
0x130: {  	v61 =	vld.idx.msk [tilespmem:v59+s22+$0x0], $0xffff  }
0x131: {  	v11 =	vor.u32 $0xB, v11  }
0x132: {  	v62 =	vld.idx.msk [tilespmem:v60+s22+$0x0], $0xffff;
	_ =	sdelay $0x2  }
0x133: {  	v9 =	vmul.f32 v12, v9;
	v10 =	vmul.f32 v61, v10  }
0x134: {  	v11 =	vld.idx.msk [tilespmem:v11+s22+$0x0], $0xffff  }
.Ltmp12:
0x135: {  	v63 =	vmul.f32 v62, v14;
	v9 =	vadd.f32 v10, v9;
	(pc) =	sbr.rel @!p4 .LBB2_18-.Ltmp12, $3  }
0x136: {  	_ = 	snop  }
0x137: {  	v9 =	vadd.f32 v63, v9;
	_ =	sdelay $0x1  }
0x138: {  	s25 =	simm.s32 $0x4070;
	v9 =	vadd.f32 v9, v11  }
.LBB2_17:
0x139: {  	s0 =	sadd.s32 $0x10, s0;
	s12 =	sadd.s32 $0x10, s12;
	s25 =	sadd.s32 $0x10, s25  }
0x13a: {  	p1 =	sne.s32 s30, $0x1;
	s30 =	sadd.s32 $0xFFFFFFFF, s30;
	v9 =	vmul.f32 v9, v8;
	_ =	sdelay $0x1  }
0x13b: {  	[tilespmem:s10+$0x4F0] =	vst v9;
	s10 =	smov.u32 s25  }
0x13c: {  	v9 =	vld [tilespmem:s0+$0x0];
	_ =	sdelay $0x4  }
0x13d: {  	vm0 =	vgt.s32 v9, $0x4FFFF;
	vm1 =	vgt.s32 v9, $0x9FFFF;
	vm15 =	vgt.s32 v9, $0xEFFFF  }
0x13e: {  	v10 =	vsel vm0, $0x1, v6;
	v11 =	vsel vm1, $0x1, v6;
	v12 =	vsel vm15, $0x1, v6  }
0x13f: {  	v10 =	vadd.s32 v11, v10;
	v11 =	vand.u32 $0x3FF, v9  }
0x140: {  	v10 =	vadd.s32 v12, v10;
	v11 =	vcvt.s32.f32 v11  }
0x141: {  	v12 =	vmul.u32 $0xFFFB0000, v10;
	v10 =	vshll.u32 v10, $0x4  }
0x142: {  	v13 =	vor.u32 $0x1, v10;
	v14 =	vor.u32 $0x2, v10;
	v15 =	vor.u32 $0x3, v10  }
0x143: {  	v9 =	vadd.s32 v9, v12  }
0x144: {  	v9 =	vshrl.u32 v9, $0xA  }
0x145: {  	v12 =	vld [tilespmem:s12+$0x0];
	v9 =	vcvt.s32.f32 v9  }
0x146: {  	v16 =	vld.idx.msk [tilespmem:v10+s22+$0x0], $0xffff  }
0x147: {  	v13 =	vld.idx.msk [tilespmem:v13+s22+$0x0], $0xffff;
	_ =	sdelay $0x1  }
0x148: {  	v14 =	vld.idx.msk [tilespmem:v14+s22+$0x0], $0xffff  }
0x149: {  	v11 =	vmul.f32 v11, v12  }
0x14a: {  	v9 =	vmul.f32 v9, v12  }
0x14b: {  	v16 =	vmul.f32 v11, v16  }
0x14c: {  	v13 =	vmul.f32 v9, v13;
	v15 =	vld.idx.msk [tilespmem:v15+s22+$0x0], $0xffff;
	_ =	sdelay $0x1  }
0x14d: {  	v13 =	vadd.f32 v13, v16;
	v14 =	vmul.f32 v14, v12;
	_ =	sdelay $0x1  }
0x14e: {  	v13 =	vadd.f32 v13, v14;
	_ =	sdelay $0x1  }
0x14f: {  	v14 =	vor.u32 $0x4, v10;
	v13 =	vadd.f32 v13, v15  }
0x150: {  	v15 =	vor.u32 $0x5, v10  }
0x151: {  	v13 =	vmul.f32 v13, v8  }
0x152: {  	v16 =	vor.u32 $0x6, v10  }
0x153: {  	[tilespmem:s25+$0xFFFFFB10] =	vst v13  }
0x154: {  	v13 =	vld.idx.msk [tilespmem:v14+s22+$0x0], $0xffff  }
0x155: {  	v14 =	vld.idx.msk [tilespmem:v15+s22+$0x0], $0xffff  }
0x156: {  	v15 =	vor.u32 $0x7, v10  }
0x157: {  	v16 =	vld.idx.msk [tilespmem:v16+s22+$0x0], $0xffff;
	_ =	sdelay $0x3  }
0x158: {  	v13 =	vmul.f32 v13, v11;
	v14 =	vmul.f32 v9, v14;
	v15 =	vld.idx.msk [tilespmem:v15+s22+$0x0], $0xffff;
	_ =	sdelay $0x1  }
0x159: {  	v13 =	vadd.f32 v14, v13;
	v14 =	vmul.f32 v16, v12;
	_ =	sdelay $0x1  }
0x15a: {  	v13 =	vadd.f32 v13, v14;
	_ =	sdelay $0x1  }
0x15b: {  	v14 =	vor.u32 $0x8, v10;
	v13 =	vadd.f32 v13, v15  }
0x15c: {  	v15 =	vor.u32 $0x9, v10  }
0x15d: {  	v16 =	vor.u32 $0xA, v10;
	v13 =	vmul.f32 v13, v8;
	_ =	sdelay $0x1  }
0x15e: {  	[tilespmem:s25+$0x0] =	vst v13  }
0x15f: {  	v13 =	vld.idx.msk [tilespmem:v14+s22+$0x0], $0xffff  }
0x160: {  	v10 =	vor.u32 $0xB, v10;
	v14 =	vld.idx.msk [tilespmem:v15+s22+$0x0], $0xffff  }
0x161: {  	v15 =	vld.idx.msk [tilespmem:v16+s22+$0x0], $0xffff;
	_ =	sdelay $0x3  }
0x162: {  	v11 =	vmul.f32 v13, v11;
	v10 =	vld.idx.msk [tilespmem:v10+s22+$0x0], $0xffff  }
0x163: {  	v9 =	vmul.f32 v14, v9  }
0x164: {  	v12 =	vmul.f32 v15, v12  }
.Ltmp13:
0x165: {  	v9 =	vadd.f32 v9, v11;
	(pc) =	sbr.rel @p1 .LBB2_17-.Ltmp13, $3  }
0x166: {  	_ = 	snop  }
0x167: {  	v9 =	vadd.f32 v12, v9;
	_ =	sdelay $0x1  }
0x168: {  	v9 =	vadd.f32 v9, v10  }
.LBB2_18:
0x169: {  	_ = 	snop  }
0x16a: {  	v8 =	vmul.f32 v9, v8;
	_ =	sdelay $0x1  }
0x16b: {  	s0 =	rddreg [dreg:$0xa];
	s1 =	simm.s32 $0x3B80;
	[tilespmem:s10+$0x4F0] =	vst v8  }
0x16c: {  	[hbm4b:s0+s11] =	stream.linear.scatter [tilespmem:s1], [sflag:$0x2], $0x480, $0x38;
	[tilespmem:$0x4A80] =	vst v63  }
0x16d: {  	_ =	swait.ge [sflag:s8], $0x480  }
0x16e: {  	[sflag:s8] =	ssyncset.done $0x0  }
0x16f: {  	s26 =	simm.s32 $0x4070;
	s25 =	rddreg [dreg:$0xb];
	[sflag:s8] =	ssyncadd.s32 $0xFFFFFB80  }
0x170: {  	[hbm4b:s25+s11] =	stream.linear.scatter [tilespmem:s26], [sflag:$0x2], $0x480, $0x38;
	[tilespmem:$0x4A80] =	vst v63  }
0x171: {  	_ =	swait.ge [sflag:s8], $0x480  }
0x172: {  	[sflag:s8] =	ssyncset.done $0x0  }
0x173: {  	s29 =	simm.s32 $0x4560;
	s28 =	rddreg [dreg:$0xc];
	[sflag:s8] =	ssyncadd.s32 $0xFFFFFB80  }
0x174: {  	[hbm4b:s28+s11] =	stream.linear.scatter [tilespmem:s29], [sflag:$0x2], $0x480, $0x38;
	[tilespmem:$0x4A80] =	vst v63  }
0x175: {  	_ =	swait.ge [sflag:s8], $0x480  }
0x176: {  	s0 =	simm.s32 @!p0 $0x0;
	[sflag:s8] =	ssyncset.done $0x0  }
0x177: {  	s1 =	simm.s32 @!p0 $0x4000;
	s2 =	rddreg [dreg:$0xd];
	[sflag:s8] =	ssyncadd.s32 $0xFFFFFB80  }
0x178: {  	[hbm4b:s2+s0] =	stream.linear.scatter @!p0 [tilespmem:s1], [sflag:$0x2], $0x70, $0x38;
	[tilespmem:$0x4A80] =	vst v63  }
0x179: {  	s1 =	simm.s32 @!p0 $0x2  }
0x17a: {  	_ =	swait.ge @!p0 [sflag:s1], $0x70  }
0x17b: {  	[sflag:s1] =	ssyncset.done @!p0 $0x0  }
0x17c: {  	s2 =	simm.s32 @!p0 $0x44F0;
	s3 =	rddreg [dreg:$0xe];
	[sflag:s1] =	ssyncadd.s32 @!p0 $0xFFFFFF90  }
0x17d: {  	[hbm4b:s3+s0] =	stream.linear.scatter @!p0 [tilespmem:s2], [sflag:$0x2], $0x70, $0x38;
	[tilespmem:$0x4A80] =	vst v63  }
0x17e: {  	_ =	swait.ge @!p0 [sflag:s1], $0x70  }
0x17f: {  	[sflag:s1] =	ssyncset.done @!p0 $0x0  }
0x180: {  	s2 =	simm.s32 @!p0 $0x49E0;
	s3 =	rddreg [dreg:$0xf];
	[sflag:s1] =	ssyncadd.s32 @!p0 $0xFFFFFF90  }
0x181: {  	[hbm4b:s3+s0] =	stream.linear.scatter @!p0 [tilespmem:s2], [sflag:$0x2], $0x70, $0x38;
	[tilespmem:$0x4A80] =	vst v63  }
0x182: {  	_ =	swait.ge @!p0 [sflag:s1], $0x70  }
0x183: {  	s30 =	rddreg [dreg:$0x11]  }
0x184: {  	s31 =	rddreg [dreg:$0x10];
	s2 =	sadd.s32 $0x1, s30  }
0x185: {  	p1 =	sne.s32 s2, s31  }
.Ltmp14:
0x186: {  	_ = 	snop;
	(pc) =	sbr.rel @p1 .LBB2_1-.Ltmp14, $4  }
.Ltmp15:
0x187: {  	_ = 	snop;
	(pc) =	sbr.rel @!p1 .LBB2_19-.Ltmp15, $4  }
0x188: {  	_ = 	snop  }
0x189: {  	[sflag:s1] =	ssyncset.done @!p0 $0x0  }
0x18a: {  	vm0 =	vcmask $0x300;
	vm1 =	vcmask $0x704;
	[sflag:s1] =	ssyncadd.s32 @!p0 $0xFFFFFF90  }
0x18b: {  	_ = 	snop  }
.LBB2_8:
.Ltmp16:
0x18c: {  	(pc) =	sbr.rel .LBB2_12-.Ltmp16, $2  }
0x18d: {  	_ =	sdelay $0x2  }
0x18e: {  	s1 =	simm.s32 $0x2C00  }
.LBB2_10:
.Ltmp17:
0x18f: {  	(pc) =	sbr.rel .LBB2_12-.Ltmp17, $2  }
0x190: {  	_ =	sdelay $0x2  }
0x191: {  	s1 =	simm.s32 $0x2C00  }
.LBB2_19:
0x192: {  	_ =	sfence.sel $0x180000  }
0x193: {  	[bflag:$0x0] =	sbarrier.arrive $0xFFFF  }
0x194: {  	_ =	strace $0x9000004A  }
0x195: {  	s0 =	stileid.u32;
	[bflag:$0x2] =	sbarrier.arrive $0xFFFF  }
0x196: {  	p0 =	sne.s32 s0, $0x0;
	s0 =	rddreg [dreg:$0x2]  }
0x197: {  	s0 =	sadd.s32 @!p0 $0x100000, s0  }
0x198: {  	[sflag:s0] =	ssyncadd.tile.s32 @!p0 $0x1;
	_ =	shalt  }
.Lfunc_end2:
_tile_overlayer_lowered:
.L_overlay_start_2:
0x199: {  	(tag) =	ssettag $0x2  }
0x19a: {  	s0 =	rddreg [dreg:$0x0];
	s2 =	stileid.u32  }
0x19b: {  	s1 =	rddreg [dreg:$0x1];
	p0 =	sne.s32 s2, $0x0  }
0x19c: {  	s3 =	rddreg [dreg:$0x2];
	[bflag:$0x3] =	sbarrier.arrive $0xFFFF;
	s2 =	simm.s32 @!p0 $0x1C02  }
0x19d: {  	[timem:s3], [sflag:s2] =	dma.local @!p0 [hbm:s0], s1  }
0x19e: {  	s0 =	simm.s32 @!p0 $0x2  }
0x19f: {  	_ =	swait.ge @!p0 [sflag:s0], s1  }
0x1a0: {  	s1 =	ssub.s32 @!p0 $0x0, s1;
	[sflag:s0] =	ssyncset.done @!p0 $0x0  }
0x1a1: {  	[sflag:s0] =	ssyncadd.s32 @!p0 s1  }
0x1a2: {  	[bflag:$0x3] =	sbarrier.arrive $0xFFFF  }
0x1a3: {  	_ =	shalt  }

</sc_bundles>
